<compile_context>
chip_gen: v7x
topology: tpu7x:2x2x1
jax: 0.10.2.dev20260603
libtpu: 0.0.44.dev20260713+nightly
codegen_flags: <defaults>
</compile_context>

<pallas_src>
import functools

import jax
import jax.numpy as jnp
from jax import lax
from jax.experimental import pallas as pl
from jax.experimental.pallas import tpu as pltpu
from jax.experimental.pallas import tpu_sc as plsc

N = 10000
E = 320000
D = 128
NUM_RELS = 200

NC = 2
NS = 16
NW = NC * NS
CHUNK = 32
GIDX = 2 * CHUNK
NCHUNK = 320
EPW = NCHUNK * CHUNK
IDXC = 80
NSUP = NCHUNK // IDXC
RING = 5
LEAD = RING - 2
GRP = RING
NGRP = IDXC // GRP
EPAD = EPW * NW
NPAD = 10112
ROWS_PT = NPAD // NS
LANES = 16


def _sc_message_accumulate(gidx4, dst4, tab, zrows):
  mesh = plsc.VectorSubcoreMesh(core_axis_name="c", subcore_axis_name="s")

  @functools.partial(
      pl.kernel,
      out_type=jax.ShapeDtypeStruct((NC, NPAD, D), jnp.float32),
      mesh=mesh,
      compiler_params=pltpu.CompilerParams(use_tc_tiling_on_sc=False),
      scratch_types=[
          pltpu.VMEM((IDXC, GIDX), jnp.int32),
          pltpu.VMEM((IDXC, CHUNK), jnp.int32),
          [pltpu.VMEM((GIDX, D // 2), jnp.int32) for _ in range(RING)],
          [pltpu.VMEM((CHUNK, D), jnp.float32) for _ in range(RING)],
          pltpu.VMEM_SHARED((NPAD, D), jnp.float32),
          [pltpu.SemaphoreType.DMA for _ in range(RING)],
          [pltpu.SemaphoreType.DMA for _ in range(RING)],
      ],
  )
  def k(gidx_hbm, dst_hbm, tab_hbm, z_hbm, out_hbm,
        gidx_v, dst_v, bufs, prods, acc_sh, sem_g, sem_s):
    cid = lax.axis_index("c")
    sid = lax.axis_index("s")
    wid = cid * NS + sid

    pltpu.sync_copy(z_hbm, acc_sh.at[pl.ds(sid * ROWS_PT, ROWS_PT)])
    plsc.subcore_barrier()

    def issue_gather(c, r):
      pltpu.async_copy(tab_hbm.at[gidx_v.at[c]], bufs[r], sem_g[r])

    def wait_gather(c, r):
      pltpu.make_async_copy(tab_hbm.at[gidx_v.at[c]], bufs[r],
                            sem_g[r]).wait()

    def issue_scatter(c, r):
      pltpu.async_copy(prods[r], acc_sh.at[dst_v.at[c]], sem_s[r], add=True)

    def wait_scatter(c, r):
      pltpu.make_async_copy(prods[r], acc_sh.at[dst_v.at[c]],
                            sem_s[r]).wait()

    def mul(r):
      buf = bufs[r]
      prod = prods[r]

      hi_mask = jnp.int32(-65536)

      def mul_body(e, carry2):
        for j in range(D // (2 * LANES)):
          s = pl.ds(j * LANES, LANES)
          wx = buf[e, s]
          wr = buf[CHUNK + e, s]
          xa = lax.bitcast_convert_type(wx << 16, jnp.float32)
          xb = lax.bitcast_convert_type(wx & hi_mask, jnp.float32)
          ra = lax.bitcast_convert_type(wr << 16, jnp.float32)
          rb = lax.bitcast_convert_type(wr & hi_mask, jnp.float32)
          prod[e, pl.ds(j * 2 * LANES, LANES)] = xa * ra
          prod[e, pl.ds(j * 2 * LANES + LANES, LANES)] = xb * rb
        return carry2

      lax.fori_loop(0, CHUNK, mul_body, 0)

    def super_body(sc, carry):
      pltpu.sync_copy(gidx_hbm.at[wid, sc], gidx_v)
      pltpu.sync_copy(dst_hbm.at[wid, sc], dst_v)

      for c in range(LEAD):
        issue_gather(c, c % RING)

      def group_body(g, carry1):
        base = g * GRP
        for k in range(GRP):
          c = base + k
          if k >= LEAD:
            wait_scatter(c - LEAD, (k - LEAD) % RING)
          else:
            @pl.when(g >= 1)
            def _():
              wait_scatter(c - LEAD, (k - LEAD + GRP) % RING)
          if k < GRP - LEAD:
            issue_gather(c + LEAD, (k + LEAD) % RING)
          else:
            @pl.when(g + 1 < NGRP)
            def _():
              issue_gather(c + LEAD, (k + LEAD) % RING)
          wait_gather(c, k % RING)
          mul(k % RING)
          issue_scatter(c, k % RING)
        return carry1

      lax.fori_loop(0, NGRP, group_body, 0)
      for i in range(LEAD):
        c = IDXC - LEAD + i
        wait_scatter(c, c % RING)
      return carry

    lax.fori_loop(0, NSUP, super_body, 0)
    plsc.subcore_barrier()

    r0 = sid * ROWS_PT
    pltpu.sync_copy(acc_sh.at[pl.ds(r0, ROWS_PT)],
                    out_hbm.at[cid, pl.ds(r0, ROWS_PT)])

  return k(gidx4, dst4, tab, zrows)


def _tc_out_matmul(partials, weight, bias2d):
  BM = 1264

  def body(p_ref, w_ref, b_ref, o_ref):
    acc = jnp.dot(p_ref[0] + p_ref[1], w_ref[...],
                  preferred_element_type=jnp.float32)
    o_ref[...] = acc + b_ref[...]

  return pl.pallas_call(
      body,
      grid=(NPAD // BM,),
      in_specs=[
          pl.BlockSpec((NC, BM, D), lambda i: (0, i, 0)),
          pl.BlockSpec((D, D), lambda i: (0, 0)),
          pl.BlockSpec((1, D), lambda i: (0, 0)),
      ],
      out_specs=pl.BlockSpec((BM, D), lambda i: (i, 0)),
      out_shape=jax.ShapeDtypeStruct((NPAD, D), jnp.float32),
  )(partials, weight, bias2d)


def _tc_rel_matmul(re_pad, rel_weight):
  def body(r_ref, w_ref, o_ref):
    o_ref[...] = jnp.dot(r_ref[...], w_ref[...],
                         preferred_element_type=jnp.float32)

  return pl.pallas_call(
      body,
      out_shape=jax.ShapeDtypeStruct((re_pad.shape[0], D), jnp.float32),
  )(re_pad, rel_weight)


def kernel(x, edge_index, edge_type, rel_embed, weight, rel_weight, bias):
  src = edge_index[0]
  dst = edge_index[1]
  npad = EPAD - E
  spread = jnp.arange(npad, dtype=jnp.int32) % N
  src_p = jnp.concatenate([src, spread]).reshape(NW, NSUP, IDXC, CHUNK)
  et_p = jnp.concatenate(
      [edge_type, jnp.full((npad,), 2 * NUM_RELS, jnp.int32)]
  ).reshape(NW, NSUP, IDXC, CHUNK)
  gidx4 = jnp.concatenate([src_p, et_p + N], axis=3)
  dst4 = jnp.concatenate([dst, spread]).reshape(NW, NSUP, IDXC, CHUNK)

  re_ext = jnp.concatenate(
      [rel_embed, jnp.zeros((1, D), rel_embed.dtype)], axis=0)
  tab_bf = jnp.concatenate([x, re_ext], axis=0).astype(jnp.bfloat16)
  tab = jax.lax.bitcast_convert_type(
      tab_bf.reshape(N + 401, D // 2, 2), jnp.int32)
  zrows = jnp.zeros((ROWS_PT, D), jnp.float32)

  partials = _sc_message_accumulate(gidx4, dst4, tab, zrows)
  ar = jnp.arange(D)
  r32 = ar % 32
  perm = 32 * (ar // 32) + jnp.where(r32 < 16, 2 * r32, 2 * (r32 - 16) + 1)
  out = _tc_out_matmul(partials, weight[perm], bias.reshape(1, D))[:N]

  re_pad = jnp.concatenate(
      [re_ext, jnp.zeros((7, D), rel_embed.dtype)], axis=0)
  rel_out = _tc_rel_matmul(re_pad, rel_weight)[:2 * NUM_RELS + 1]
  return (out, rel_out)

# --- scband reference (transcript-rebuilt; emitter-appended) ---
"""Pipeline reference for scband-comp-gcnconv-83640193122546 (READ-ONLY COPY).

The authoritative reference and input builder live on the scoring server;
editing this copy changes nothing except your own understanding.
"""

import jax, jax.numpy as jnp
import numpy as np

N, E, D, NUM_RELS = 10000, 320000, 128, 200


def setup_inputs(seed: int = 0):
    key = jax.random.key(seed)
    k1, k2, k3, k4, k5, k6 = jax.random.split(key, 6)
    x = jax.random.normal(k1, (N, D), dtype=jnp.float32)
    edge_index = jax.random.randint(k2, (2, E), 0, N, dtype=jnp.int32)
    edge_type = jax.random.randint(k3, (E,), 0, 2 * NUM_RELS, dtype=jnp.int32)
    rel_embed = jax.random.normal(k4, (2 * NUM_RELS, D), dtype=jnp.float32)
    # xavier_uniform for weight matrices
    a = float(np.sqrt(6.0 / (D + D)))
    weight = jax.random.uniform(k5, (D, D), minval=-a, maxval=a, dtype=jnp.float32)
    rel_weight = jax.random.uniform(k6, (D, D), minval=-a, maxval=a, dtype=jnp.float32)
    bias = jnp.zeros((D,), dtype=jnp.float32)
    return {"x": x, "edge_index": edge_index, "edge_type": edge_type,
            "rel_embed": rel_embed, "weight": weight, "rel_weight": rel_weight,
            "bias": bias}


def reference(x, edge_index, edge_type, rel_embed, weight, rel_weight, bias):
    num_nodes = x.shape[0]
    loop = jnp.arange(num_nodes, dtype=edge_index.dtype)
    self_loop_edge = jnp.stack([loop, loop], axis=0)
    ei = jnp.concatenate([edge_index, self_loop_edge], axis=1)
    self_loop_type = jnp.full((num_nodes,), 2 * NUM_RELS, dtype=edge_type.dtype)
    et = jnp.concatenate([edge_type, self_loop_type], axis=0)
    re = jnp.concatenate([rel_embed, jnp.zeros((1, rel_embed.shape[1]), dtype=rel_embed.dtype)], axis=0)
    h = x[ei[0]]
    r = re[et]
    msg = h * r  # opn='mult'
    out = jnp.zeros_like(x).at[ei[1]].add(msg)
    out = out @ weight + bias
    # act = identity, dropout p=0.0 -> identity
    rel_out = re @ rel_weight
    return (out, rel_out)

if __name__ == "__main__":
    import jax
    _d = setup_inputs()
    print(jax.jit(kernel)(*tuple(_d.values())))

</pallas_src>

<mosaic_0001>
#map = affine_map<(d0, d1) -> (0, 0, 0, 0)>
#map1 = affine_map<(d0, d1) -> (0, 0)>
#map2 = affine_map<(d0, d1) -> (0, 0, 0)>
module attributes {stable_mosaic.version = 14 : i64} {
  func.func @k(%arg0: i32, %arg1: i32, %arg2: memref<32x4x80x64xi32, #tpu.memory_space<hbm>>, %arg3: memref<32x4x80x32xi32, #tpu.memory_space<hbm>>, %arg4: memref<10401x64xi32, #tpu.memory_space<hbm>>, %arg5: memref<632x128xf32, #tpu.memory_space<hbm>>, %arg6: memref<2x10112x128xf32, #tpu.memory_space<hbm>>, %arg7: memref<80x64xi32, #tpu.memory_space<vmem>>, %arg8: memref<80x32xi32, #tpu.memory_space<vmem>>, %arg9: memref<64x64xi32, #tpu.memory_space<vmem>>, %arg10: memref<64x64xi32, #tpu.memory_space<vmem>>, %arg11: memref<64x64xi32, #tpu.memory_space<vmem>>, %arg12: memref<64x64xi32, #tpu.memory_space<vmem>>, %arg13: memref<64x64xi32, #tpu.memory_space<vmem>>, %arg14: memref<32x128xf32, #tpu.memory_space<vmem>>, %arg15: memref<32x128xf32, #tpu.memory_space<vmem>>, %arg16: memref<32x128xf32, #tpu.memory_space<vmem>>, %arg17: memref<32x128xf32, #tpu.memory_space<vmem>>, %arg18: memref<32x128xf32, #tpu.memory_space<vmem>>, %arg19: memref<10112x128xf32, #tpu.memory_space<vmem_shared>>, %arg20: memref<!tpu.dma_semaphore, #tpu.memory_space<semaphore_mem>>, %arg21: memref<!tpu.dma_semaphore, #tpu.memory_space<semaphore_mem>>, %arg22: memref<!tpu.dma_semaphore, #tpu.memory_space<semaphore_mem>>, %arg23: memref<!tpu.dma_semaphore, #tpu.memory_space<semaphore_mem>>, %arg24: memref<!tpu.dma_semaphore, #tpu.memory_space<semaphore_mem>>, %arg25: memref<!tpu.dma_semaphore, #tpu.memory_space<semaphore_mem>>, %arg26: memref<!tpu.dma_semaphore, #tpu.memory_space<semaphore_mem>>, %arg27: memref<!tpu.dma_semaphore, #tpu.memory_space<semaphore_mem>>, %arg28: memref<!tpu.dma_semaphore, #tpu.memory_space<semaphore_mem>>, %arg29: memref<!tpu.dma_semaphore, #tpu.memory_space<semaphore_mem>>) attributes {dimension_semantics = [#tpu.dimension_semantics<core_parallel>, #tpu.dimension_semantics<subcore_parallel>], iteration_bounds = array<i64: 2, 16>, scalar_prefetch = 0 : i64, scratch_operands = 23 : i64, tpu.core_type = #tpu.core_type<sc_vector_subcore>, window_params = [{transform_indices = #map}, {transform_indices = #map}, {transform_indices = #map1}, {transform_indices = #map1}, {transform_indices = #map2}]} {
    %mul3A = arith.constant 16 : i32
    %mul3A_0 = arith.muli %arg0, %mul3A : i32
    %add3A = arith.addi %mul3A_0, %arg1 : i32
    %mul3A_1 = arith.constant 632 : i32
    %mul3A_2 = arith.muli %arg1, %mul3A_1 : i32
    "tpu.region"() ({
      %run_scoped3A = tpu.sem_alloc : memref<!tpu.dma_semaphore, #tpu.memory_space<semaphore_mem>>
      %dma_start3A = arith.constant 0 : i32
      %dma_start3A_11 = tpu.memref_slice %arg19[%mul3A_2, %dma_start3A] : memref<10112x128xf32, #tpu.memory_space<vmem_shared>> -> memref<632x128xf32, #tpu.memory_space<vmem_shared>>
      tpu.enqueue_dma source(%arg5 : memref<632x128xf32, #tpu.memory_space<hbm>>) target(%dma_start3A_11 : memref<632x128xf32, #tpu.memory_space<vmem_shared>>) target_semaphore(%run_scoped3A : memref<!tpu.dma_semaphore, #tpu.memory_space<semaphore_mem>>)
      %dma_wait3A = arith.constant 0 : i32
      %dma_wait3A_12 = tpu.memref_slice %arg19[%mul3A_2, %dma_wait3A] : memref<10112x128xf32, #tpu.memory_space<vmem_shared>> -> memref<632x128xf32, #tpu.memory_space<vmem_shared>>
      tpu.wait_dma2 semaphore(%run_scoped3A : memref<!tpu.dma_semaphore, #tpu.memory_space<semaphore_mem>>) src(%arg5 : memref<632x128xf32, #tpu.memory_space<hbm>>) dst(%dma_wait3A_12 : memref<632x128xf32, #tpu.memory_space<vmem_shared>>)
      tpu.yield
    }) : () -> ()
    %barrier3A = arith.constant 0 : index
    tpu.barrier barrier_id(%barrier3A)
    %scan3A = arith.constant 0 : i32
    %scan3A_3 = arith.constant 0 : i32
    %scan3A_4 = arith.constant 4 : i32
    %scan3A_5 = arith.addi %scan3A_3, %scan3A_4 : i32
    %scan3A_6 = arith.constant 1 : i32
    scf.for %scan3A_11 = %scan3A_3 to %scan3A_5 step %scan3A_6  : i32 {
      "tpu.region"() ({
        %run_scoped3A = tpu.sem_alloc : memref<!tpu.dma_semaphore, #tpu.memory_space<semaphore_mem>>
        %dma_start3A_58 = arith.constant 0 : i32
        %dma_start3A_59 = arith.constant 0 : i32
        %dma_start3A_60 = tpu.memref_slice %arg2[%add3A, %scan3A_11, %dma_start3A_58, %dma_start3A_59] : memref<32x4x80x64xi32, #tpu.memory_space<hbm>> -> memref<1x1x80x64xi32, #tpu.memory_space<hbm>>
        %dma_start3A_61 = tpu.memref_squeeze %dma_start3A_60 : memref<1x1x80x64xi32, #tpu.memory_space<hbm>> -> memref<80x64xi32, #tpu.memory_space<hbm>>
        %dma_start3A_62 = arith.constant 0 : i32
        %dma_start3A_63 = arith.constant 0 : i32
        %dma_start3A_64 = tpu.memref_slice %arg2[%add3A, %scan3A_11, %dma_start3A_62, %dma_start3A_63] : memref<32x4x80x64xi32, #tpu.memory_space<hbm>> -> memref<1x1x80x64xi32, #tpu.memory_space<hbm>>
        %dma_start3A_65 = tpu.memref_squeeze %dma_start3A_64 : memref<1x1x80x64xi32, #tpu.memory_space<hbm>> -> memref<80x64xi32, #tpu.memory_space<hbm>>
        tpu.enqueue_dma source(%dma_start3A_65 : memref<80x64xi32, #tpu.memory_space<hbm>>) target(%arg7 : memref<80x64xi32, #tpu.memory_space<vmem>>) target_semaphore(%run_scoped3A : memref<!tpu.dma_semaphore, #tpu.memory_space<semaphore_mem>>)
        %dma_wait3A_66 = arith.constant 0 : i32
        %dma_wait3A_67 = arith.constant 0 : i32
        %dma_wait3A_68 = tpu.memref_slice %arg2[%add3A, %scan3A_11, %dma_wait3A_66, %dma_wait3A_67] : memref<32x4x80x64xi32, #tpu.memory_space<hbm>> -> memref<1x1x80x64xi32, #tpu.memory_space<hbm>>
        %dma_wait3A_69 = tpu.memref_squeeze %dma_wait3A_68 : memref<1x1x80x64xi32, #tpu.memory_space<hbm>> -> memref<80x64xi32, #tpu.memory_space<hbm>>
        %dma_wait3A_70 = arith.constant 0 : i32
        %dma_wait3A_71 = arith.constant 0 : i32
        %dma_wait3A_72 = tpu.memref_slice %arg2[%add3A, %scan3A_11, %dma_wait3A_70, %dma_wait3A_71] : memref<32x4x80x64xi32, #tpu.memory_space<hbm>> -> memref<1x1x80x64xi32, #tpu.memory_space<hbm>>
        %dma_wait3A_73 = tpu.memref_squeeze %dma_wait3A_72 : memref<1x1x80x64xi32, #tpu.memory_space<hbm>> -> memref<80x64xi32, #tpu.memory_space<hbm>>
        tpu.wait_dma2 semaphore(%run_scoped3A : memref<!tpu.dma_semaphore, #tpu.memory_space<semaphore_mem>>) src(%dma_wait3A_73 : memref<80x64xi32, #tpu.memory_space<hbm>>) dst(%arg7 : memref<80x64xi32, #tpu.memory_space<vmem>>)
        tpu.yield
      }) : () -> ()
      "tpu.region"() ({
        %run_scoped3A = tpu.sem_alloc : memref<!tpu.dma_semaphore, #tpu.memory_space<semaphore_mem>>
        %dma_start3A_58 = arith.constant 0 : i32
        %dma_start3A_59 = arith.constant 0 : i32
        %dma_start3A_60 = tpu.memref_slice %arg3[%add3A, %scan3A_11, %dma_start3A_58, %dma_start3A_59] : memref<32x4x80x32xi32, #tpu.memory_space<hbm>> -> memref<1x1x80x32xi32, #tpu.memory_space<hbm>>
        %dma_start3A_61 = tpu.memref_squeeze %dma_start3A_60 : memref<1x1x80x32xi32, #tpu.memory_space<hbm>> -> memref<80x32xi32, #tpu.memory_space<hbm>>
        %dma_start3A_62 = arith.constant 0 : i32
        %dma_start3A_63 = arith.constant 0 : i32
        %dma_start3A_64 = tpu.memref_slice %arg3[%add3A, %scan3A_11, %dma_start3A_62, %dma_start3A_63] : memref<32x4x80x32xi32, #tpu.memory_space<hbm>> -> memref<1x1x80x32xi32, #tpu.memory_space<hbm>>
        %dma_start3A_65 = tpu.memref_squeeze %dma_start3A_64 : memref<1x1x80x32xi32, #tpu.memory_space<hbm>> -> memref<80x32xi32, #tpu.memory_space<hbm>>
        tpu.enqueue_dma source(%dma_start3A_65 : memref<80x32xi32, #tpu.memory_space<hbm>>) target(%arg8 : memref<80x32xi32, #tpu.memory_space<vmem>>) target_semaphore(%run_scoped3A : memref<!tpu.dma_semaphore, #tpu.memory_space<semaphore_mem>>)
        %dma_wait3A_66 = arith.constant 0 : i32
        %dma_wait3A_67 = arith.constant 0 : i32
        %dma_wait3A_68 = tpu.memref_slice %arg3[%add3A, %scan3A_11, %dma_wait3A_66, %dma_wait3A_67] : memref<32x4x80x32xi32, #tpu.memory_space<hbm>> -> memref<1x1x80x32xi32, #tpu.memory_space<hbm>>
        %dma_wait3A_69 = tpu.memref_squeeze %dma_wait3A_68 : memref<1x1x80x32xi32, #tpu.memory_space<hbm>> -> memref<80x32xi32, #tpu.memory_space<hbm>>
        %dma_wait3A_70 = arith.constant 0 : i32
        %dma_wait3A_71 = arith.constant 0 : i32
        %dma_wait3A_72 = tpu.memref_slice %arg3[%add3A, %scan3A_11, %dma_wait3A_70, %dma_wait3A_71] : memref<32x4x80x32xi32, #tpu.memory_space<hbm>> -> memref<1x1x80x32xi32, #tpu.memory_space<hbm>>
        %dma_wait3A_73 = tpu.memref_squeeze %dma_wait3A_72 : memref<1x1x80x32xi32, #tpu.memory_space<hbm>> -> memref<80x32xi32, #tpu.memory_space<hbm>>
        tpu.wait_dma2 semaphore(%run_scoped3A : memref<!tpu.dma_semaphore, #tpu.memory_space<semaphore_mem>>) src(%dma_wait3A_73 : memref<80x32xi32, #tpu.memory_space<hbm>>) dst(%arg8 : memref<80x32xi32, #tpu.memory_space<vmem>>)
        tpu.yield
      }) : () -> ()
      %dma_start3A = arith.constant 0 : i32
      %dma_start3A_12 = arith.constant 0 : i32
      %dma_start3A_13 = tpu.memref_slice %arg7[%dma_start3A, %dma_start3A_12] : memref<80x64xi32, #tpu.memory_space<vmem>> -> memref<1x64xi32, #tpu.memory_space<vmem>>
      %dma_start3A_14 = tpu.memref_squeeze %dma_start3A_13 : memref<1x64xi32, #tpu.memory_space<vmem>> -> memref<64xi32, #tpu.memory_space<vmem>>
      %dma_start3A_15 = arith.constant 0 : i32
      %dma_start3A_16 = arith.constant 0 : i32
      %dma_start3A_17 = tpu.memref_slice %arg4[%dma_start3A_15, %dma_start3A_16] : memref<10401x64xi32, #tpu.memory_space<hbm>> -> memref<10401x64xi32, #tpu.memory_space<hbm>>
      tpu.enqueue_indirect_dma source(%dma_start3A_17 : memref<10401x64xi32, #tpu.memory_space<hbm>>) target(%arg9 : memref<64x64xi32, #tpu.memory_space<vmem>>) offsets(%dma_start3A_14 : memref<64xi32, #tpu.memory_space<vmem>>) semaphore(%arg20 : memref<!tpu.dma_semaphore, #tpu.memory_space<semaphore_mem>>)
      %dma_start3A_18 = arith.constant 1 : i32
      %dma_start3A_19 = arith.constant 0 : i32
      %dma_start3A_20 = tpu.memref_slice %arg7[%dma_start3A_18, %dma_start3A_19] : memref<80x64xi32, #tpu.memory_space<vmem>> -> memref<1x64xi32, #tpu.memory_space<vmem>>
      %dma_start3A_21 = tpu.memref_squeeze %dma_start3A_20 : memref<1x64xi32, #tpu.memory_space<vmem>> -> memref<64xi32, #tpu.memory_space<vmem>>
      %dma_start3A_22 = arith.constant 0 : i32
      %dma_start3A_23 = arith.constant 0 : i32
      %dma_start3A_24 = tpu.memref_slice %arg4[%dma_start3A_22, %dma_start3A_23] : memref<10401x64xi32, #tpu.memory_space<hbm>> -> memref<10401x64xi32, #tpu.memory_space<hbm>>
      tpu.enqueue_indirect_dma source(%dma_start3A_24 : memref<10401x64xi32, #tpu.memory_space<hbm>>) target(%arg10 : memref<64x64xi32, #tpu.memory_space<vmem>>) offsets(%dma_start3A_21 : memref<64xi32, #tpu.memory_space<vmem>>) semaphore(%arg21 : memref<!tpu.dma_semaphore, #tpu.memory_space<semaphore_mem>>)
      %dma_start3A_25 = arith.constant 2 : i32
      %dma_start3A_26 = arith.constant 0 : i32
      %dma_start3A_27 = tpu.memref_slice %arg7[%dma_start3A_25, %dma_start3A_26] : memref<80x64xi32, #tpu.memory_space<vmem>> -> memref<1x64xi32, #tpu.memory_space<vmem>>
      %dma_start3A_28 = tpu.memref_squeeze %dma_start3A_27 : memref<1x64xi32, #tpu.memory_space<vmem>> -> memref<64xi32, #tpu.memory_space<vmem>>
      %dma_start3A_29 = arith.constant 0 : i32
      %dma_start3A_30 = arith.constant 0 : i32
      %dma_start3A_31 = tpu.memref_slice %arg4[%dma_start3A_29, %dma_start3A_30] : memref<10401x64xi32, #tpu.memory_space<hbm>> -> memref<10401x64xi32, #tpu.memory_space<hbm>>
      tpu.enqueue_indirect_dma source(%dma_start3A_31 : memref<10401x64xi32, #tpu.memory_space<hbm>>) target(%arg11 : memref<64x64xi32, #tpu.memory_space<vmem>>) offsets(%dma_start3A_28 : memref<64xi32, #tpu.memory_space<vmem>>) semaphore(%arg22 : memref<!tpu.dma_semaphore, #tpu.memory_space<semaphore_mem>>)
      %scan3A_32 = arith.constant 0 : i32
      %scan3A_33 = arith.constant 0 : i32
      %scan3A_34 = arith.constant 16 : i32
      %scan3A_35 = arith.addi %scan3A_33, %scan3A_34 : i32
      %scan3A_36 = arith.constant 1 : i32
      scf.for %scan3A_58 = %scan3A_33 to %scan3A_35 step %scan3A_36  : i32 {
        %mul3A_59 = arith.constant 5 : i32
        %mul3A_60 = arith.muli %scan3A_58, %mul3A_59 : i32
        %add3A_61 = arith.constant 0 : i32
        %add3A_62 = arith.addi %mul3A_60, %add3A_61 : i32
        %ge3A = arith.constant 1 : i32
        %ge3A_63 = arith.cmpi sge, %scan3A_58, %ge3A : i32
        %convert_element_type3A = arith.extui %ge3A_63 : i1 to i32
        %cond3A = arith.constant 0 : i32
        %cond3A_64 = arith.cmpi ne, %convert_element_type3A, %cond3A : i32
        scf.if %cond3A_64 {
          %sub3A_229 = arith.constant 3 : i32
          %sub3A_230 = arith.subi %add3A_62, %sub3A_229 : i32
          %dma_wait3A_231 = arith.constant 0 : i32
          %dma_wait3A_232 = tpu.memref_slice %arg8[%sub3A_230, %dma_wait3A_231] : memref<80x32xi32, #tpu.memory_space<vmem>> -> memref<1x32xi32, #tpu.memory_space<vmem>>
          %dma_wait3A_233 = tpu.memref_squeeze %dma_wait3A_232 : memref<1x32xi32, #tpu.memory_space<vmem>> -> memref<32xi32, #tpu.memory_space<vmem>>
          %dma_wait3A_234 = arith.constant 0 : i32
          %dma_wait3A_235 = arith.constant 0 : i32
          %dma_wait3A_236 = tpu.memref_slice %arg19[%dma_wait3A_234, %dma_wait3A_235] : memref<10112x128xf32, #tpu.memory_space<vmem_shared>> -> memref<10112x128xf32, #tpu.memory_space<vmem_shared>>
          tpu.wait_indirect_dma semaphore(%arg27 : memref<!tpu.dma_semaphore, #tpu.memory_space<semaphore_mem>>) src(%arg16 : memref<32x128xf32, #tpu.memory_space<vmem>>) dst(%dma_wait3A_236 : memref<10112x128xf32, #tpu.memory_space<vmem_shared>>)
        } else {
        }
        %add3A_65 = arith.constant 3 : i32
        %add3A_66 = arith.addi %add3A_62, %add3A_65 : i32
        %dma_start3A_67 = arith.constant 0 : i32
        %dma_start3A_68 = tpu.memref_slice %arg7[%add3A_66, %dma_start3A_67] : memref<80x64xi32, #tpu.memory_space<vmem>> -> memref<1x64xi32, #tpu.memory_space<vmem>>
        %dma_start3A_69 = tpu.memref_squeeze %dma_start3A_68 : memref<1x64xi32, #tpu.memory_space<vmem>> -> memref<64xi32, #tpu.memory_space<vmem>>
        %dma_start3A_70 = arith.constant 0 : i32
        %dma_start3A_71 = arith.constant 0 : i32
        %dma_start3A_72 = tpu.memref_slice %arg4[%dma_start3A_70, %dma_start3A_71] : memref<10401x64xi32, #tpu.memory_space<hbm>> -> memref<10401x64xi32, #tpu.memory_space<hbm>>
        tpu.enqueue_indirect_dma source(%dma_start3A_72 : memref<10401x64xi32, #tpu.memory_space<hbm>>) target(%arg12 : memref<64x64xi32, #tpu.memory_space<vmem>>) offsets(%dma_start3A_69 : memref<64xi32, #tpu.memory_space<vmem>>) semaphore(%arg23 : memref<!tpu.dma_semaphore, #tpu.memory_space<semaphore_mem>>)
        %dma_wait3A_73 = arith.constant 0 : i32
        %dma_wait3A_74 = tpu.memref_slice %arg7[%add3A_62, %dma_wait3A_73] : memref<80x64xi32, #tpu.memory_space<vmem>> -> memref<1x64xi32, #tpu.memory_space<vmem>>
        %dma_wait3A_75 = tpu.memref_squeeze %dma_wait3A_74 : memref<1x64xi32, #tpu.memory_space<vmem>> -> memref<64xi32, #tpu.memory_space<vmem>>
        %dma_wait3A_76 = arith.constant 0 : i32
        %dma_wait3A_77 = arith.constant 0 : i32
        %dma_wait3A_78 = tpu.memref_slice %arg4[%dma_wait3A_76, %dma_wait3A_77] : memref<10401x64xi32, #tpu.memory_space<hbm>> -> memref<10401x64xi32, #tpu.memory_space<hbm>>
        tpu.wait_indirect_dma semaphore(%arg20 : memref<!tpu.dma_semaphore, #tpu.memory_space<semaphore_mem>>) src(%dma_wait3A_78 : memref<10401x64xi32, #tpu.memory_space<hbm>>) dst(%arg9 : memref<64x64xi32, #tpu.memory_space<vmem>>)
        %scan3A_79 = arith.constant 0 : i32
        %scan3A_80 = arith.constant -65536 : i32
        %scan3A_81 = arith.constant 0 : i32
        %scan3A_82 = arith.constant 32 : i32
        %scan3A_83 = arith.addi %scan3A_81, %scan3A_82 : i32
        %scan3A_84 = arith.constant 1 : i32
        scf.for %scan3A_229 = %scan3A_81 to %scan3A_83 step %scan3A_84  : i32 {
          %get3A = arith.index_cast %scan3A_229 : i32 to index
          %get3A_230 = arith.constant 0 : index
          %get3A_231 = tpu.vector_load %arg9[%get3A, %get3A_230] {strides = array<i32>} : memref<64x64xi32, #tpu.memory_space<vmem>>, vector<1x16xi32>,
          %get3A_232 = vector.shape_cast %get3A_231 : vector<1x16xi32> to vector<16xi32>
          %add3A_233 = arith.constant 32 : i32
          %add3A_234 = arith.addi %add3A_233, %scan3A_229 : i32
          %get3A_235 = arith.index_cast %add3A_234 : i32 to index
          %get3A_236 = arith.constant 0 : index
          %get3A_237 = tpu.vector_load %arg9[%get3A_235, %get3A_236] {strides = array<i32>} : memref<64x64xi32, #tpu.memory_space<vmem>>, vector<1x16xi32>,
          %get3A_238 = vector.shape_cast %get3A_237 : vector<1x16xi32> to vector<16xi32>
          %shift_left3A = arith.constant 16 : i32
          %shift_left3A_239 = vector.broadcast %shift_left3A : i32 to vector<16xi32>
          %shift_left3A_240 = arith.shli %get3A_232, %shift_left3A_239 : vector<16xi32>
          %bitcast_convert_type3A = tpu.bitcast %shift_left3A_240 : vector<16xi32> -> vector<16xf32>
          %and3A = vector.broadcast %scan3A_80 : i32 to vector<16xi32>
          %and3A_241 = arith.andi %get3A_232, %and3A : vector<16xi32>
          %bitcast_convert_type3A_242 = tpu.bitcast %and3A_241 : vector<16xi32> -> vector<16xf32>
          %shift_left3A_243 = arith.constant 16 : i32
          %shift_left3A_244 = vector.broadcast %shift_left3A_243 : i32 to vector<16xi32>
          %shift_left3A_245 = arith.shli %get3A_238, %shift_left3A_244 : vector<16xi32>
          %bitcast_convert_type3A_246 = tpu.bitcast %shift_left3A_245 : vector<16xi32> -> vector<16xf32>
          %and3A_247 = vector.broadcast %scan3A_80 : i32 to vector<16xi32>
          %and3A_248 = arith.andi %get3A_238, %and3A_247 : vector<16xi32>
          %bitcast_convert_type3A_249 = tpu.bitcast %and3A_248 : vector<16xi32> -> vector<16xf32>
          %mul3A_250 = arith.mulf %bitcast_convert_type3A, %bitcast_convert_type3A_246 : vector<16xf32>
          %swap3A = arith.index_cast %scan3A_229 : i32 to index
          %swap3A_251 = arith.constant 0 : index
          %swap3A_252 = tpu.vector_load %arg14[%swap3A, %swap3A_251] {strides = array<i32>} : memref<32x128xf32, #tpu.memory_space<vmem>>, vector<1x16xf32>,
          %swap3A_253 = vector.shape_cast %swap3A_252 : vector<1x16xf32> to vector<16xf32>
          %swap3A_254 = vector.shape_cast %mul3A_250 : vector<16xf32> to vector<1x16xf32>
          tpu.vector_store %arg14[%swap3A, %swap3A_251], %swap3A_254 {strides = array<i32>} : memref<32x128xf32, #tpu.memory_space<vmem>>, vector<1x16xf32>,
          %mul3A_255 = arith.mulf %bitcast_convert_type3A_242, %bitcast_convert_type3A_249 : vector<16xf32>
          %swap3A_256 = arith.index_cast %scan3A_229 : i32 to index
          %swap3A_257 = arith.constant 16 : index
          %swap3A_258 = tpu.vector_load %arg14[%swap3A_256, %swap3A_257] {strides = array<i32>} : memref<32x128xf32, #tpu.memory_space<vmem>>, vector<1x16xf32>,
          %swap3A_259 = vector.shape_cast %swap3A_258 : vector<1x16xf32> to vector<16xf32>
          %swap3A_260 = vector.shape_cast %mul3A_255 : vector<16xf32> to vector<1x16xf32>
          tpu.vector_store %arg14[%swap3A_256, %swap3A_257], %swap3A_260 {strides = array<i32>} : memref<32x128xf32, #tpu.memory_space<vmem>>, vector<1x16xf32>,
          %get3A_261 = arith.index_cast %scan3A_229 : i32 to index
          %get3A_262 = arith.constant 16 : index
          %get3A_263 = tpu.vector_load %arg9[%get3A_261, %get3A_262] {strides = array<i32>} : memref<64x64xi32, #tpu.memory_space<vmem>>, vector<1x16xi32>,
          %get3A_264 = vector.shape_cast %get3A_263 : vector<1x16xi32> to vector<16xi32>
          %add3A_265 = arith.constant 32 : i32
          %add3A_266 = arith.addi %add3A_265, %scan3A_229 : i32
          %get3A_267 = arith.index_cast %add3A_266 : i32 to index
          %get3A_268 = arith.constant 16 : index
          %get3A_269 = tpu.vector_load %arg9[%get3A_267, %get3A_268] {strides = array<i32>} : memref<64x64xi32, #tpu.memory_space<vmem>>, vector<1x16xi32>,
          %get3A_270 = vector.shape_cast %get3A_269 : vector<1x16xi32> to vector<16xi32>
          %shift_left3A_271 = arith.constant 16 : i32
          %shift_left3A_272 = vector.broadcast %shift_left3A_271 : i32 to vector<16xi32>
          %shift_left3A_273 = arith.shli %get3A_264, %shift_left3A_272 : vector<16xi32>
          %bitcast_convert_type3A_274 = tpu.bitcast %shift_left3A_273 : vector<16xi32> -> vector<16xf32>
          %and3A_275 = vector.broadcast %scan3A_80 : i32 to vector<16xi32>
          %and3A_276 = arith.andi %get3A_264, %and3A_275 : vector<16xi32>
          %bitcast_convert_type3A_277 = tpu.bitcast %and3A_276 : vector<16xi32> -> vector<16xf32>
          %shift_left3A_278 = arith.constant 16 : i32
          %shift_left3A_279 = vector.broadcast %shift_left3A_278 : i32 to vector<16xi32>
          %shift_left3A_280 = arith.shli %get3A_270, %shift_left3A_279 : vector<16xi32>
          %bitcast_convert_type3A_281 = tpu.bitcast %shift_left3A_280 : vector<16xi32> -> vector<16xf32>
          %and3A_282 = vector.broadcast %scan3A_80 : i32 to vector<16xi32>
          %and3A_283 = arith.andi %get3A_270, %and3A_282 : vector<16xi32>
          %bitcast_convert_type3A_284 = tpu.bitcast %and3A_283 : vector<16xi32> -> vector<16xf32>
          %mul3A_285 = arith.mulf %bitcast_convert_type3A_274, %bitcast_convert_type3A_281 : vector<16xf32>
          %swap3A_286 = arith.index_cast %scan3A_229 : i32 to index
          %swap3A_287 = arith.constant 32 : index
          %swap3A_288 = tpu.vector_load %arg14[%swap3A_286, %swap3A_287] {strides = array<i32>} : memref<32x128xf32, #tpu.memory_space<vmem>>, vector<1x16xf32>,
          %swap3A_289 = vector.shape_cast %swap3A_288 : vector<1x16xf32> to vector<16xf32>
          %swap3A_290 = vector.shape_cast %mul3A_285 : vector<16xf32> to vector<1x16xf32>
          tpu.vector_store %arg14[%swap3A_286, %swap3A_287], %swap3A_290 {strides = array<i32>} : memref<32x128xf32, #tpu.memory_space<vmem>>, vector<1x16xf32>,
          %mul3A_291 = arith.mulf %bitcast_convert_type3A_277, %bitcast_convert_type3A_284 : vector<16xf32>
          %swap3A_292 = arith.index_cast %scan3A_229 : i32 to index
          %swap3A_293 = arith.constant 48 : index
          %swap3A_294 = tpu.vector_load %arg14[%swap3A_292, %swap3A_293] {strides = array<i32>} : memref<32x128xf32, #tpu.memory_space<vmem>>, vector<1x16xf32>,
          %swap3A_295 = vector.shape_cast %swap3A_294 : vector<1x16xf32> to vector<16xf32>
          %swap3A_296 = vector.shape_cast %mul3A_291 : vector<16xf32> to vector<1x16xf32>
          tpu.vector_store %arg14[%swap3A_292, %swap3A_293], %swap3A_296 {strides = array<i32>} : memref<32x128xf32, #tpu.memory_space<vmem>>, vector<1x16xf32>,
          %get3A_297 = arith.index_cast %scan3A_229 : i32 to index
          %get3A_298 = arith.constant 32 : index
          %get3A_299 = tpu.vector_load %arg9[%get3A_297, %get3A_298] {strides = array<i32>} : memref<64x64xi32, #tpu.memory_space<vmem>>, vector<1x16xi32>,
          %get3A_300 = vector.shape_cast %get3A_299 : vector<1x16xi32> to vector<16xi32>
          %add3A_301 = arith.constant 32 : i32
          %add3A_302 = arith.addi %add3A_301, %scan3A_229 : i32
          %get3A_303 = arith.index_cast %add3A_302 : i32 to index
          %get3A_304 = arith.constant 32 : index
          %get3A_305 = tpu.vector_load %arg9[%get3A_303, %get3A_304] {strides = array<i32>} : memref<64x64xi32, #tpu.memory_space<vmem>>, vector<1x16xi32>,
          %get3A_306 = vector.shape_cast %get3A_305 : vector<1x16xi32> to vector<16xi32>
          %shift_left3A_307 = arith.constant 16 : i32
          %shift_left3A_308 = vector.broadcast %shift_left3A_307 : i32 to vector<16xi32>
          %shift_left3A_309 = arith.shli %get3A_300, %shift_left3A_308 : vector<16xi32>
          %bitcast_convert_type3A_310 = tpu.bitcast %shift_left3A_309 : vector<16xi32> -> vector<16xf32>
          %and3A_311 = vector.broadcast %scan3A_80 : i32 to vector<16xi32>
          %and3A_312 = arith.andi %get3A_300, %and3A_311 : vector<16xi32>
          %bitcast_convert_type3A_313 = tpu.bitcast %and3A_312 : vector<16xi32> -> vector<16xf32>
          %shift_left3A_314 = arith.constant 16 : i32
          %shift_left3A_315 = vector.broadcast %shift_left3A_314 : i32 to vector<16xi32>
          %shift_left3A_316 = arith.shli %get3A_306, %shift_left3A_315 : vector<16xi32>
          %bitcast_convert_type3A_317 = tpu.bitcast %shift_left3A_316 : vector<16xi32> -> vector<16xf32>
          %and3A_318 = vector.broadcast %scan3A_80 : i32 to vector<16xi32>
          %and3A_319 = arith.andi %get3A_306, %and3A_318 : vector<16xi32>
          %bitcast_convert_type3A_320 = tpu.bitcast %and3A_319 : vector<16xi32> -> vector<16xf32>
          %mul3A_321 = arith.mulf %bitcast_convert_type3A_310, %bitcast_convert_type3A_317 : vector<16xf32>
          %swap3A_322 = arith.index_cast %scan3A_229 : i32 to index
          %swap3A_323 = arith.constant 64 : index
          %swap3A_324 = tpu.vector_load %arg14[%swap3A_322, %swap3A_323] {strides = array<i32>} : memref<32x128xf32, #tpu.memory_space<vmem>>, vector<1x16xf32>,
          %swap3A_325 = vector.shape_cast %swap3A_324 : vector<1x16xf32> to vector<16xf32>
          %swap3A_326 = vector.shape_cast %mul3A_321 : vector<16xf32> to vector<1x16xf32>
          tpu.vector_store %arg14[%swap3A_322, %swap3A_323], %swap3A_326 {strides = array<i32>} : memref<32x128xf32, #tpu.memory_space<vmem>>, vector<1x16xf32>,
          %mul3A_327 = arith.mulf %bitcast_convert_type3A_313, %bitcast_convert_type3A_320 : vector<16xf32>
          %swap3A_328 = arith.index_cast %scan3A_229 : i32 to index
          %swap3A_329 = arith.constant 80 : index
          %swap3A_330 = tpu.vector_load %arg14[%swap3A_328, %swap3A_329] {strides = array<i32>} : memref<32x128xf32, #tpu.memory_space<vmem>>, vector<1x16xf32>,
          %swap3A_331 = vector.shape_cast %swap3A_330 : vector<1x16xf32> to vector<16xf32>
          %swap3A_332 = vector.shape_cast %mul3A_327 : vector<16xf32> to vector<1x16xf32>
          tpu.vector_store %arg14[%swap3A_328, %swap3A_329], %swap3A_332 {strides = array<i32>} : memref<32x128xf32, #tpu.memory_space<vmem>>, vector<1x16xf32>,
          %get3A_333 = arith.index_cast %scan3A_229 : i32 to index
          %get3A_334 = arith.constant 48 : index
          %get3A_335 = tpu.vector_load %arg9[%get3A_333, %get3A_334] {strides = array<i32>} : memref<64x64xi32, #tpu.memory_space<vmem>>, vector<1x16xi32>,
          %get3A_336 = vector.shape_cast %get3A_335 : vector<1x16xi32> to vector<16xi32>
          %add3A_337 = arith.constant 32 : i32
          %add3A_338 = arith.addi %add3A_337, %scan3A_229 : i32
          %get3A_339 = arith.index_cast %add3A_338 : i32 to index
          %get3A_340 = arith.constant 48 : index
          %get3A_341 = tpu.vector_load %arg9[%get3A_339, %get3A_340] {strides = array<i32>} : memref<64x64xi32, #tpu.memory_space<vmem>>, vector<1x16xi32>,
          %get3A_342 = vector.shape_cast %get3A_341 : vector<1x16xi32> to vector<16xi32>
          %shift_left3A_343 = arith.constant 16 : i32
          %shift_left3A_344 = vector.broadcast %shift_left3A_343 : i32 to vector<16xi32>
          %shift_left3A_345 = arith.shli %get3A_336, %shift_left3A_344 : vector<16xi32>
          %bitcast_convert_type3A_346 = tpu.bitcast %shift_left3A_345 : vector<16xi32> -> vector<16xf32>
          %and3A_347 = vector.broadcast %scan3A_80 : i32 to vector<16xi32>
          %and3A_348 = arith.andi %get3A_336, %and3A_347 : vector<16xi32>
          %bitcast_convert_type3A_349 = tpu.bitcast %and3A_348 : vector<16xi32> -> vector<16xf32>
          %shift_left3A_350 = arith.constant 16 : i32
          %shift_left3A_351 = vector.broadcast %shift_left3A_350 : i32 to vector<16xi32>
          %shift_left3A_352 = arith.shli %get3A_342, %shift_left3A_351 : vector<16xi32>
          %bitcast_convert_type3A_353 = tpu.bitcast %shift_left3A_352 : vector<16xi32> -> vector<16xf32>
          %and3A_354 = vector.broadcast %scan3A_80 : i32 to vector<16xi32>
          %and3A_355 = arith.andi %get3A_342, %and3A_354 : vector<16xi32>
          %bitcast_convert_type3A_356 = tpu.bitcast %and3A_355 : vector<16xi32> -> vector<16xf32>
          %mul3A_357 = arith.mulf %bitcast_convert_type3A_346, %bitcast_convert_type3A_353 : vector<16xf32>
          %swap3A_358 = arith.index_cast %scan3A_229 : i32 to index
          %swap3A_359 = arith.constant 96 : index
          %swap3A_360 = tpu.vector_load %arg14[%swap3A_358, %swap3A_359] {strides = array<i32>} : memref<32x128xf32, #tpu.memory_space<vmem>>, vector<1x16xf32>,
          %swap3A_361 = vector.shape_cast %swap3A_360 : vector<1x16xf32> to vector<16xf32>
          %swap3A_362 = vector.shape_cast %mul3A_357 : vector<16xf32> to vector<1x16xf32>
          tpu.vector_store %arg14[%swap3A_358, %swap3A_359], %swap3A_362 {strides = array<i32>} : memref<32x128xf32, #tpu.memory_space<vmem>>, vector<1x16xf32>,
          %mul3A_363 = arith.mulf %bitcast_convert_type3A_349, %bitcast_convert_type3A_356 : vector<16xf32>
          %swap3A_364 = arith.index_cast %scan3A_229 : i32 to index
          %swap3A_365 = arith.constant 112 : index
          %swap3A_366 = tpu.vector_load %arg14[%swap3A_364, %swap3A_365] {strides = array<i32>} : memref<32x128xf32, #tpu.memory_space<vmem>>, vector<1x16xf32>,
          %swap3A_367 = vector.shape_cast %swap3A_366 : vector<1x16xf32> to vector<16xf32>
          %swap3A_368 = vector.shape_cast %mul3A_363 : vector<16xf32> to vector<1x16xf32>
          tpu.vector_store %arg14[%swap3A_364, %swap3A_365], %swap3A_368 {strides = array<i32>} : memref<32x128xf32, #tpu.memory_space<vmem>>, vector<1x16xf32>,
        }
        %scan3A_85 = arith.constant 32 : i32
        %dma_start3A_86 = arith.constant 0 : i32
        %dma_start3A_87 = tpu.memref_slice %arg8[%add3A_62, %dma_start3A_86] : memref<80x32xi32, #tpu.memory_space<vmem>> -> memref<1x32xi32, #tpu.memory_space<vmem>>
        %dma_start3A_88 = tpu.memref_squeeze %dma_start3A_87 : memref<1x32xi32, #tpu.memory_space<vmem>> -> memref<32xi32, #tpu.memory_space<vmem>>
        %dma_start3A_89 = arith.constant 0 : i32
        %dma_start3A_90 = arith.constant 0 : i32
        %dma_start3A_91 = tpu.memref_slice %arg19[%dma_start3A_89, %dma_start3A_90] : memref<10112x128xf32, #tpu.memory_space<vmem_shared>> -> memref<10112x128xf32, #tpu.memory_space<vmem_shared>>
        tpu.enqueue_indirect_dma source(%arg14 : memref<32x128xf32, #tpu.memory_space<vmem>>) target(%dma_start3A_91 : memref<10112x128xf32, #tpu.memory_space<vmem_shared>>) offsets(%dma_start3A_88 : memref<32xi32, #tpu.memory_space<vmem>>) semaphore(%arg25 : memref<!tpu.dma_semaphore, #tpu.memory_space<semaphore_mem>>) {add = true}
        %add3A_92 = arith.constant 1 : i32
        %add3A_93 = arith.addi %mul3A_60, %add3A_92 : i32
        %ge3A_94 = arith.constant 1 : i32
        %ge3A_95 = arith.cmpi sge, %scan3A_58, %ge3A_94 : i32
        %convert_element_type3A_96 = arith.extui %ge3A_95 : i1 to i32
        %cond3A_97 = arith.constant 0 : i32
        %cond3A_98 = arith.cmpi ne, %convert_element_type3A_96, %cond3A_97 : i32
        scf.if %cond3A_98 {
          %sub3A_229 = arith.constant 3 : i32
          %sub3A_230 = arith.subi %add3A_93, %sub3A_229 : i32
          %dma_wait3A_231 = arith.constant 0 : i32
          %dma_wait3A_232 = tpu.memref_slice %arg8[%sub3A_230, %dma_wait3A_231] : memref<80x32xi32, #tpu.memory_space<vmem>> -> memref<1x32xi32, #tpu.memory_space<vmem>>
          %dma_wait3A_233 = tpu.memref_squeeze %dma_wait3A_232 : memref<1x32xi32, #tpu.memory_space<vmem>> -> memref<32xi32, #tpu.memory_space<vmem>>
          %dma_wait3A_234 = arith.constant 0 : i32
          %dma_wait3A_235 = arith.constant 0 : i32
          %dma_wait3A_236 = tpu.memref_slice %arg19[%dma_wait3A_234, %dma_wait3A_235] : memref<10112x128xf32, #tpu.memory_space<vmem_shared>> -> memref<10112x128xf32, #tpu.memory_space<vmem_shared>>
          tpu.wait_indirect_dma semaphore(%arg28 : memref<!tpu.dma_semaphore, #tpu.memory_space<semaphore_mem>>) src(%arg17 : memref<32x128xf32, #tpu.memory_space<vmem>>) dst(%dma_wait3A_236 : memref<10112x128xf32, #tpu.memory_space<vmem_shared>>)
        } else {
        }
        %add3A_99 = arith.constant 3 : i32
        %add3A_100 = arith.addi %add3A_93, %add3A_99 : i32
        %dma_start3A_101 = arith.constant 0 : i32
        %dma_start3A_102 = tpu.memref_slice %arg7[%add3A_100, %dma_start3A_101] : memref<80x64xi32, #tpu.memory_space<vmem>> -> memref<1x64xi32, #tpu.memory_space<vmem>>
        %dma_start3A_103 = tpu.memref_squeeze %dma_start3A_102 : memref<1x64xi32, #tpu.memory_space<vmem>> -> memref<64xi32, #tpu.memory_space<vmem>>
        %dma_start3A_104 = arith.constant 0 : i32
        %dma_start3A_105 = arith.constant 0 : i32
        %dma_start3A_106 = tpu.memref_slice %arg4[%dma_start3A_104, %dma_start3A_105] : memref<10401x64xi32, #tpu.memory_space<hbm>> -> memref<10401x64xi32, #tpu.memory_space<hbm>>
        tpu.enqueue_indirect_dma source(%dma_start3A_106 : memref<10401x64xi32, #tpu.memory_space<hbm>>) target(%arg13 : memref<64x64xi32, #tpu.memory_space<vmem>>) offsets(%dma_start3A_103 : memref<64xi32, #tpu.memory_space<vmem>>) semaphore(%arg24 : memref<!tpu.dma_semaphore, #tpu.memory_space<semaphore_mem>>)
        %dma_wait3A_107 = arith.constant 0 : i32
        %dma_wait3A_108 = tpu.memref_slice %arg7[%add3A_93, %dma_wait3A_107] : memref<80x64xi32, #tpu.memory_space<vmem>> -> memref<1x64xi32, #tpu.memory_space<vmem>>
        %dma_wait3A_109 = tpu.memref_squeeze %dma_wait3A_108 : memref<1x64xi32, #tpu.memory_space<vmem>> -> memref<64xi32, #tpu.memory_space<vmem>>
        %dma_wait3A_110 = arith.constant 0 : i32
        %dma_wait3A_111 = arith.constant 0 : i32
        %dma_wait3A_112 = tpu.memref_slice %arg4[%dma_wait3A_110, %dma_wait3A_111] : memref<10401x64xi32, #tpu.memory_space<hbm>> -> memref<10401x64xi32, #tpu.memory_space<hbm>>
        tpu.wait_indirect_dma semaphore(%arg21 : memref<!tpu.dma_semaphore, #tpu.memory_space<semaphore_mem>>) src(%dma_wait3A_112 : memref<10401x64xi32, #tpu.memory_space<hbm>>) dst(%arg10 : memref<64x64xi32, #tpu.memory_space<vmem>>)
        %scan3A_113 = arith.constant 0 : i32
        %scan3A_114 = arith.constant -65536 : i32
        %scan3A_115 = arith.constant 0 : i32
        %scan3A_116 = arith.constant 32 : i32
        %scan3A_117 = arith.addi %scan3A_115, %scan3A_116 : i32
        %scan3A_118 = arith.constant 1 : i32
        scf.for %scan3A_229 = %scan3A_115 to %scan3A_117 step %scan3A_118  : i32 {
          %get3A = arith.index_cast %scan3A_229 : i32 to index
          %get3A_230 = arith.constant 0 : index
          %get3A_231 = tpu.vector_load %arg10[%get3A, %get3A_230] {strides = array<i32>} : memref<64x64xi32, #tpu.memory_space<vmem>>, vector<1x16xi32>,
          %get3A_232 = vector.shape_cast %get3A_231 : vector<1x16xi32> to vector<16xi32>
          %add3A_233 = arith.constant 32 : i32
          %add3A_234 = arith.addi %add3A_233, %scan3A_229 : i32
          %get3A_235 = arith.index_cast %add3A_234 : i32 to index
          %get3A_236 = arith.constant 0 : index
          %get3A_237 = tpu.vector_load %arg10[%get3A_235, %get3A_236] {strides = array<i32>} : memref<64x64xi32, #tpu.memory_space<vmem>>, vector<1x16xi32>,
          %get3A_238 = vector.shape_cast %get3A_237 : vector<1x16xi32> to vector<16xi32>
          %shift_left3A = arith.constant 16 : i32
          %shift_left3A_239 = vector.broadcast %shift_left3A : i32 to vector<16xi32>
          %shift_left3A_240 = arith.shli %get3A_232, %shift_left3A_239 : vector<16xi32>
          %bitcast_convert_type3A = tpu.bitcast %shift_left3A_240 : vector<16xi32> -> vector<16xf32>
          %and3A = vector.broadcast %scan3A_114 : i32 to vector<16xi32>
          %and3A_241 = arith.andi %get3A_232, %and3A : vector<16xi32>
          %bitcast_convert_type3A_242 = tpu.bitcast %and3A_241 : vector<16xi32> -> vector<16xf32>
          %shift_left3A_243 = arith.constant 16 : i32
          %shift_left3A_244 = vector.broadcast %shift_left3A_243 : i32 to vector<16xi32>
          %shift_left3A_245 = arith.shli %get3A_238, %shift_left3A_244 : vector<16xi32>
          %bitcast_convert_type3A_246 = tpu.bitcast %shift_left3A_245 : vector<16xi32> -> vector<16xf32>
          %and3A_247 = vector.broadcast %scan3A_114 : i32 to vector<16xi32>
          %and3A_248 = arith.andi %get3A_238, %and3A_247 : vector<16xi32>
          %bitcast_convert_type3A_249 = tpu.bitcast %and3A_248 : vector<16xi32> -> vector<16xf32>
          %mul3A_250 = arith.mulf %bitcast_convert_type3A, %bitcast_convert_type3A_246 : vector<16xf32>
          %swap3A = arith.index_cast %scan3A_229 : i32 to index
          %swap3A_251 = arith.constant 0 : index
          %swap3A_252 = tpu.vector_load %arg15[%swap3A, %swap3A_251] {strides = array<i32>} : memref<32x128xf32, #tpu.memory_space<vmem>>, vector<1x16xf32>,
          %swap3A_253 = vector.shape_cast %swap3A_252 : vector<1x16xf32> to vector<16xf32>
          %swap3A_254 = vector.shape_cast %mul3A_250 : vector<16xf32> to vector<1x16xf32>
          tpu.vector_store %arg15[%swap3A, %swap3A_251], %swap3A_254 {strides = array<i32>} : memref<32x128xf32, #tpu.memory_space<vmem>>, vector<1x16xf32>,
          %mul3A_255 = arith.mulf %bitcast_convert_type3A_242, %bitcast_convert_type3A_249 : vector<16xf32>
          %swap3A_256 = arith.index_cast %scan3A_229 : i32 to index
          %swap3A_257 = arith.constant 16 : index
          %swap3A_258 = tpu.vector_load %arg15[%swap3A_256, %swap3A_257] {strides = array<i32>} : memref<32x128xf32, #tpu.memory_space<vmem>>, vector<1x16xf32>,
          %swap3A_259 = vector.shape_cast %swap3A_258 : vector<1x16xf32> to vector<16xf32>
          %swap3A_260 = vector.shape_cast %mul3A_255 : vector<16xf32> to vector<1x16xf32>
          tpu.vector_store %arg15[%swap3A_256, %swap3A_257], %swap3A_260 {strides = array<i32>} : memref<32x128xf32, #tpu.memory_space<vmem>>, vector<1x16xf32>,
          %get3A_261 = arith.index_cast %scan3A_229 : i32 to index
          %get3A_262 = arith.constant 16 : index
          %get3A_263 = tpu.vector_load %arg10[%get3A_261, %get3A_262] {strides = array<i32>} : memref<64x64xi32, #tpu.memory_space<vmem>>, vector<1x16xi32>,
          %get3A_264 = vector.shape_cast %get3A_263 : vector<1x16xi32> to vector<16xi32>
          %add3A_265 = arith.constant 32 : i32
          %add3A_266 = arith.addi %add3A_265, %scan3A_229 : i32
          %get3A_267 = arith.index_cast %add3A_266 : i32 to index
          %get3A_268 = arith.constant 16 : index
          %get3A_269 = tpu.vector_load %arg10[%get3A_267, %get3A_268] {strides = array<i32>} : memref<64x64xi32, #tpu.memory_space<vmem>>, vector<1x16xi32>,
          %get3A_270 = vector.shape_cast %get3A_269 : vector<1x16xi32> to vector<16xi32>
          %shift_left3A_271 = arith.constant 16 : i32
          %shift_left3A_272 = vector.broadcast %shift_left3A_271 : i32 to vector<16xi32>
          %shift_left3A_273 = arith.shli %get3A_264, %shift_left3A_272 : vector<16xi32>
          %bitcast_convert_type3A_274 = tpu.bitcast %shift_left3A_273 : vector<16xi32> -> vector<16xf32>
          %and3A_275 = vector.broadcast %scan3A_114 : i32 to vector<16xi32>
          %and3A_276 = arith.andi %get3A_264, %and3A_275 : vector<16xi32>
          %bitcast_convert_type3A_277 = tpu.bitcast %and3A_276 : vector<16xi32> -> vector<16xf32>
          %shift_left3A_278 = arith.constant 16 : i32
          %shift_left3A_279 = vector.broadcast %shift_left3A_278 : i32 to vector<16xi32>
          %shift_left3A_280 = arith.shli %get3A_270, %shift_left3A_279 : vector<16xi32>
          %bitcast_convert_type3A_281 = tpu.bitcast %shift_left3A_280 : vector<16xi32> -> vector<16xf32>
          %and3A_282 = vector.broadcast %scan3A_114 : i32 to vector<16xi32>
          %and3A_283 = arith.andi %get3A_270, %and3A_282 : vector<16xi32>
          %bitcast_convert_type3A_284 = tpu.bitcast %and3A_283 : vector<16xi32> -> vector<16xf32>
          %mul3A_285 = arith.mulf %bitcast_convert_type3A_274, %bitcast_convert_type3A_281 : vector<16xf32>
          %swap3A_286 = arith.index_cast %scan3A_229 : i32 to index
          %swap3A_287 = arith.constant 32 : index
          %swap3A_288 = tpu.vector_load %arg15[%swap3A_286, %swap3A_287] {strides = array<i32>} : memref<32x128xf32, #tpu.memory_space<vmem>>, vector<1x16xf32>,
          %swap3A_289 = vector.shape_cast %swap3A_288 : vector<1x16xf32> to vector<16xf32>
          %swap3A_290 = vector.shape_cast %mul3A_285 : vector<16xf32> to vector<1x16xf32>
          tpu.vector_store %arg15[%swap3A_286, %swap3A_287], %swap3A_290 {strides = array<i32>} : memref<32x128xf32, #tpu.memory_space<vmem>>, vector<1x16xf32>,
          %mul3A_291 = arith.mulf %bitcast_convert_type3A_277, %bitcast_convert_type3A_284 : vector<16xf32>
          %swap3A_292 = arith.index_cast %scan3A_229 : i32 to index
          %swap3A_293 = arith.constant 48 : index
          %swap3A_294 = tpu.vector_load %arg15[%swap3A_292, %swap3A_293] {strides = array<i32>} : memref<32x128xf32, #tpu.memory_space<vmem>>, vector<1x16xf32>,
          %swap3A_295 = vector.shape_cast %swap3A_294 : vector<1x16xf32> to vector<16xf32>
          %swap3A_296 = vector.shape_cast %mul3A_291 : vector<16xf32> to vector<1x16xf32>
          tpu.vector_store %arg15[%swap3A_292, %swap3A_293], %swap3A_296 {strides = array<i32>} : memref<32x128xf32, #tpu.memory_space<vmem>>, vector<1x16xf32>,
          %get3A_297 = arith.index_cast %scan3A_229 : i32 to index
          %get3A_298 = arith.constant 32 : index
          %get3A_299 = tpu.vector_load %arg10[%get3A_297, %get3A_298] {strides = array<i32>} : memref<64x64xi32, #tpu.memory_space<vmem>>, vector<1x16xi32>,
          %get3A_300 = vector.shape_cast %get3A_299 : vector<1x16xi32> to vector<16xi32>
          %add3A_301 = arith.constant 32 : i32
          %add3A_302 = arith.addi %add3A_301, %scan3A_229 : i32
          %get3A_303 = arith.index_cast %add3A_302 : i32 to index
          %get3A_304 = arith.constant 32 : index
          %get3A_305 = tpu.vector_load %arg10[%get3A_303, %get3A_304] {strides = array<i32>} : memref<64x64xi32, #tpu.memory_space<vmem>>, vector<1x16xi32>,
          %get3A_306 = vector.shape_cast %get3A_305 : vector<1x16xi32> to vector<16xi32>
          %shift_left3A_307 = arith.constant 16 : i32
          %shift_left3A_308 = vector.broadcast %shift_left3A_307 : i32 to vector<16xi32>
          %shift_left3A_309 = arith.shli %get3A_300, %shift_left3A_308 : vector<16xi32>
          %bitcast_convert_type3A_310 = tpu.bitcast %shift_left3A_309 : vector<16xi32> -> vector<16xf32>
          %and3A_311 = vector.broadcast %scan3A_114 : i32 to vector<16xi32>
          %and3A_312 = arith.andi %get3A_300, %and3A_311 : vector<16xi32>
          %bitcast_convert_type3A_313 = tpu.bitcast %and3A_312 : vector<16xi32> -> vector<16xf32>
          %shift_left3A_314 = arith.constant 16 : i32
          %shift_left3A_315 = vector.broadcast %shift_left3A_314 : i32 to vector<16xi32>
          %shift_left3A_316 = arith.shli %get3A_306, %shift_left3A_315 : vector<16xi32>
          %bitcast_convert_type3A_317 = tpu.bitcast %shift_left3A_316 : vector<16xi32> -> vector<16xf32>
          %and3A_318 = vector.broadcast %scan3A_114 : i32 to vector<16xi32>
          %and3A_319 = arith.andi %get3A_306, %and3A_318 : vector<16xi32>
          %bitcast_convert_type3A_320 = tpu.bitcast %and3A_319 : vector<16xi32> -> vector<16xf32>
          %mul3A_321 = arith.mulf %bitcast_convert_type3A_310, %bitcast_convert_type3A_317 : vector<16xf32>
          %swap3A_322 = arith.index_cast %scan3A_229 : i32 to index
          %swap3A_323 = arith.constant 64 : index
          %swap3A_324 = tpu.vector_load %arg15[%swap3A_322, %swap3A_323] {strides = array<i32>} : memref<32x128xf32, #tpu.memory_space<vmem>>, vector<1x16xf32>,
          %swap3A_325 = vector.shape_cast %swap3A_324 : vector<1x16xf32> to vector<16xf32>
          %swap3A_326 = vector.shape_cast %mul3A_321 : vector<16xf32> to vector<1x16xf32>
          tpu.vector_store %arg15[%swap3A_322, %swap3A_323], %swap3A_326 {strides = array<i32>} : memref<32x128xf32, #tpu.memory_space<vmem>>, vector<1x16xf32>,
          %mul3A_327 = arith.mulf %bitcast_convert_type3A_313, %bitcast_convert_type3A_320 : vector<16xf32>
          %swap3A_328 = arith.index_cast %scan3A_229 : i32 to index
          %swap3A_329 = arith.constant 80 : index
          %swap3A_330 = tpu.vector_load %arg15[%swap3A_328, %swap3A_329] {strides = array<i32>} : memref<32x128xf32, #tpu.memory_space<vmem>>, vector<1x16xf32>,
          %swap3A_331 = vector.shape_cast %swap3A_330 : vector<1x16xf32> to vector<16xf32>
          %swap3A_332 = vector.shape_cast %mul3A_327 : vector<16xf32> to vector<1x16xf32>
          tpu.vector_store %arg15[%swap3A_328, %swap3A_329], %swap3A_332 {strides = array<i32>} : memref<32x128xf32, #tpu.memory_space<vmem>>, vector<1x16xf32>,
          %get3A_333 = arith.index_cast %scan3A_229 : i32 to index
          %get3A_334 = arith.constant 48 : index
          %get3A_335 = tpu.vector_load %arg10[%get3A_333, %get3A_334] {strides = array<i32>} : memref<64x64xi32, #tpu.memory_space<vmem>>, vector<1x16xi32>,
          %get3A_336 = vector.shape_cast %get3A_335 : vector<1x16xi32> to vector<16xi32>
          %add3A_337 = arith.constant 32 : i32
          %add3A_338 = arith.addi %add3A_337, %scan3A_229 : i32
          %get3A_339 = arith.index_cast %add3A_338 : i32 to index
          %get3A_340 = arith.constant 48 : index
          %get3A_341 = tpu.vector_load %arg10[%get3A_339, %get3A_340] {strides = array<i32>} : memref<64x64xi32, #tpu.memory_space<vmem>>, vector<1x16xi32>,
          %get3A_342 = vector.shape_cast %get3A_341 : vector<1x16xi32> to vector<16xi32>
          %shift_left3A_343 = arith.constant 16 : i32
          %shift_left3A_344 = vector.broadcast %shift_left3A_343 : i32 to vector<16xi32>
          %shift_left3A_345 = arith.shli %get3A_336, %shift_left3A_344 : vector<16xi32>
          %bitcast_convert_type3A_346 = tpu.bitcast %shift_left3A_345 : vector<16xi32> -> vector<16xf32>
          %and3A_347 = vector.broadcast %scan3A_114 : i32 to vector<16xi32>
          %and3A_348 = arith.andi %get3A_336, %and3A_347 : vector<16xi32>
          %bitcast_convert_type3A_349 = tpu.bitcast %and3A_348 : vector<16xi32> -> vector<16xf32>
          %shift_left3A_350 = arith.constant 16 : i32
          %shift_left3A_351 = vector.broadcast %shift_left3A_350 : i32 to vector<16xi32>
          %shift_left3A_352 = arith.shli %get3A_342, %shift_left3A_351 : vector<16xi32>
          %bitcast_convert_type3A_353 = tpu.bitcast %shift_left3A_352 : vector<16xi32> -> vector<16xf32>
          %and3A_354 = vector.broadcast %scan3A_114 : i32 to vector<16xi32>
          %and3A_355 = arith.andi %get3A_342, %and3A_354 : vector<16xi32>
          %bitcast_convert_type3A_356 = tpu.bitcast %and3A_355 : vector<16xi32> -> vector<16xf32>
          %mul3A_357 = arith.mulf %bitcast_convert_type3A_346, %bitcast_convert_type3A_353 : vector<16xf32>
          %swap3A_358 = arith.index_cast %scan3A_229 : i32 to index
          %swap3A_359 = arith.constant 96 : index
          %swap3A_360 = tpu.vector_load %arg15[%swap3A_358, %swap3A_359] {strides = array<i32>} : memref<32x128xf32, #tpu.memory_space<vmem>>, vector<1x16xf32>,
          %swap3A_361 = vector.shape_cast %swap3A_360 : vector<1x16xf32> to vector<16xf32>
          %swap3A_362 = vector.shape_cast %mul3A_357 : vector<16xf32> to vector<1x16xf32>
          tpu.vector_store %arg15[%swap3A_358, %swap3A_359], %swap3A_362 {strides = array<i32>} : memref<32x128xf32, #tpu.memory_space<vmem>>, vector<1x16xf32>,
          %mul3A_363 = arith.mulf %bitcast_convert_type3A_349, %bitcast_convert_type3A_356 : vector<16xf32>
          %swap3A_364 = arith.index_cast %scan3A_229 : i32 to index
          %swap3A_365 = arith.constant 112 : index
          %swap3A_366 = tpu.vector_load %arg15[%swap3A_364, %swap3A_365] {strides = array<i32>} : memref<32x128xf32, #tpu.memory_space<vmem>>, vector<1x16xf32>,
          %swap3A_367 = vector.shape_cast %swap3A_366 : vector<1x16xf32> to vector<16xf32>
          %swap3A_368 = vector.shape_cast %mul3A_363 : vector<16xf32> to vector<1x16xf32>
          tpu.vector_store %arg15[%swap3A_364, %swap3A_365], %swap3A_368 {strides = array<i32>} : memref<32x128xf32, #tpu.memory_space<vmem>>, vector<1x16xf32>,
        }
        %scan3A_119 = arith.constant 32 : i32
        %dma_start3A_120 = arith.constant 0 : i32
        %dma_start3A_121 = tpu.memref_slice %arg8[%add3A_93, %dma_start3A_120] : memref<80x32xi32, #tpu.memory_space<vmem>> -> memref<1x32xi32, #tpu.memory_space<vmem>>
        %dma_start3A_122 = tpu.memref_squeeze %dma_start3A_121 : memref<1x32xi32, #tpu.memory_space<vmem>> -> memref<32xi32, #tpu.memory_space<vmem>>
        %dma_start3A_123 = arith.constant 0 : i32
        %dma_start3A_124 = arith.constant 0 : i32
        %dma_start3A_125 = tpu.memref_slice %arg19[%dma_start3A_123, %dma_start3A_124] : memref<10112x128xf32, #tpu.memory_space<vmem_shared>> -> memref<10112x128xf32, #tpu.memory_space<vmem_shared>>
        tpu.enqueue_indirect_dma source(%arg15 : memref<32x128xf32, #tpu.memory_space<vmem>>) target(%dma_start3A_125 : memref<10112x128xf32, #tpu.memory_space<vmem_shared>>) offsets(%dma_start3A_122 : memref<32xi32, #tpu.memory_space<vmem>>) semaphore(%arg26 : memref<!tpu.dma_semaphore, #tpu.memory_space<semaphore_mem>>) {add = true}
        %add3A_126 = arith.constant 2 : i32
        %add3A_127 = arith.addi %mul3A_60, %add3A_126 : i32
        %ge3A_128 = arith.constant 1 : i32
        %ge3A_129 = arith.cmpi sge, %scan3A_58, %ge3A_128 : i32
        %convert_element_type3A_130 = arith.extui %ge3A_129 : i1 to i32
        %cond3A_131 = arith.constant 0 : i32
        %cond3A_132 = arith.cmpi ne, %convert_element_type3A_130, %cond3A_131 : i32
        scf.if %cond3A_132 {
          %sub3A_229 = arith.constant 3 : i32
          %sub3A_230 = arith.subi %add3A_127, %sub3A_229 : i32
          %dma_wait3A_231 = arith.constant 0 : i32
          %dma_wait3A_232 = tpu.memref_slice %arg8[%sub3A_230, %dma_wait3A_231] : memref<80x32xi32, #tpu.memory_space<vmem>> -> memref<1x32xi32, #tpu.memory_space<vmem>>
          %dma_wait3A_233 = tpu.memref_squeeze %dma_wait3A_232 : memref<1x32xi32, #tpu.memory_space<vmem>> -> memref<32xi32, #tpu.memory_space<vmem>>
          %dma_wait3A_234 = arith.constant 0 : i32
          %dma_wait3A_235 = arith.constant 0 : i32
          %dma_wait3A_236 = tpu.memref_slice %arg19[%dma_wait3A_234, %dma_wait3A_235] : memref<10112x128xf32, #tpu.memory_space<vmem_shared>> -> memref<10112x128xf32, #tpu.memory_space<vmem_shared>>
          tpu.wait_indirect_dma semaphore(%arg29 : memref<!tpu.dma_semaphore, #tpu.memory_space<semaphore_mem>>) src(%arg18 : memref<32x128xf32, #tpu.memory_space<vmem>>) dst(%dma_wait3A_236 : memref<10112x128xf32, #tpu.memory_space<vmem_shared>>)
        } else {
        }
        %add3A_133 = arith.constant 1 : i32
        %add3A_134 = arith.addi %scan3A_58, %add3A_133 : i32
        %lt3A = arith.constant 16 : i32
        %lt3A_135 = arith.cmpi slt, %add3A_134, %lt3A : i32
        %convert_element_type3A_136 = arith.extui %lt3A_135 : i1 to i32
        %cond3A_137 = arith.constant 0 : i32
        %cond3A_138 = arith.cmpi ne, %convert_element_type3A_136, %cond3A_137 : i32
        scf.if %cond3A_138 {
          %add3A_229 = arith.constant 3 : i32
          %add3A_230 = arith.addi %add3A_127, %add3A_229 : i32
          %dma_start3A_231 = arith.constant 0 : i32
          %dma_start3A_232 = tpu.memref_slice %arg7[%add3A_230, %dma_start3A_231] : memref<80x64xi32, #tpu.memory_space<vmem>> -> memref<1x64xi32, #tpu.memory_space<vmem>>
          %dma_start3A_233 = tpu.memref_squeeze %dma_start3A_232 : memref<1x64xi32, #tpu.memory_space<vmem>> -> memref<64xi32, #tpu.memory_space<vmem>>
          %dma_start3A_234 = arith.constant 0 : i32
          %dma_start3A_235 = arith.constant 0 : i32
          %dma_start3A_236 = tpu.memref_slice %arg4[%dma_start3A_234, %dma_start3A_235] : memref<10401x64xi32, #tpu.memory_space<hbm>> -> memref<10401x64xi32, #tpu.memory_space<hbm>>
          tpu.enqueue_indirect_dma source(%dma_start3A_236 : memref<10401x64xi32, #tpu.memory_space<hbm>>) target(%arg9 : memref<64x64xi32, #tpu.memory_space<vmem>>) offsets(%dma_start3A_233 : memref<64xi32, #tpu.memory_space<vmem>>) semaphore(%arg20 : memref<!tpu.dma_semaphore, #tpu.memory_space<semaphore_mem>>)
        } else {
        }
        %dma_wait3A_139 = arith.constant 0 : i32
        %dma_wait3A_140 = tpu.memref_slice %arg7[%add3A_127, %dma_wait3A_139] : memref<80x64xi32, #tpu.memory_space<vmem>> -> memref<1x64xi32, #tpu.memory_space<vmem>>
        %dma_wait3A_141 = tpu.memref_squeeze %dma_wait3A_140 : memref<1x64xi32, #tpu.memory_space<vmem>> -> memref<64xi32, #tpu.memory_space<vmem>>
        %dma_wait3A_142 = arith.constant 0 : i32
        %dma_wait3A_143 = arith.constant 0 : i32
        %dma_wait3A_144 = tpu.memref_slice %arg4[%dma_wait3A_142, %dma_wait3A_143] : memref<10401x64xi32, #tpu.memory_space<hbm>> -> memref<10401x64xi32, #tpu.memory_space<hbm>>
        tpu.wait_indirect_dma semaphore(%arg22 : memref<!tpu.dma_semaphore, #tpu.memory_space<semaphore_mem>>) src(%dma_wait3A_144 : memref<10401x64xi32, #tpu.memory_space<hbm>>) dst(%arg11 : memref<64x64xi32, #tpu.memory_space<vmem>>)
        %scan3A_145 = arith.constant 0 : i32
        %scan3A_146 = arith.constant -65536 : i32
        %scan3A_147 = arith.constant 0 : i32
        %scan3A_148 = arith.constant 32 : i32
        %scan3A_149 = arith.addi %scan3A_147, %scan3A_148 : i32
        %scan3A_150 = arith.constant 1 : i32
        scf.for %scan3A_229 = %scan3A_147 to %scan3A_149 step %scan3A_150  : i32 {
          %get3A = arith.index_cast %scan3A_229 : i32 to index
          %get3A_230 = arith.constant 0 : index
          %get3A_231 = tpu.vector_load %arg11[%get3A, %get3A_230] {strides = array<i32>} : memref<64x64xi32, #tpu.memory_space<vmem>>, vector<1x16xi32>,
          %get3A_232 = vector.shape_cast %get3A_231 : vector<1x16xi32> to vector<16xi32>
          %add3A_233 = arith.constant 32 : i32
          %add3A_234 = arith.addi %add3A_233, %scan3A_229 : i32
          %get3A_235 = arith.index_cast %add3A_234 : i32 to index
          %get3A_236 = arith.constant 0 : index
          %get3A_237 = tpu.vector_load %arg11[%get3A_235, %get3A_236] {strides = array<i32>} : memref<64x64xi32, #tpu.memory_space<vmem>>, vector<1x16xi32>,
          %get3A_238 = vector.shape_cast %get3A_237 : vector<1x16xi32> to vector<16xi32>
          %shift_left3A = arith.constant 16 : i32
          %shift_left3A_239 = vector.broadcast %shift_left3A : i32 to vector<16xi32>
          %shift_left3A_240 = arith.shli %get3A_232, %shift_left3A_239 : vector<16xi32>
          %bitcast_convert_type3A = tpu.bitcast %shift_left3A_240 : vector<16xi32> -> vector<16xf32>
          %and3A = vector.broadcast %scan3A_146 : i32 to vector<16xi32>
          %and3A_241 = arith.andi %get3A_232, %and3A : vector<16xi32>
          %bitcast_convert_type3A_242 = tpu.bitcast %and3A_241 : vector<16xi32> -> vector<16xf32>
          %shift_left3A_243 = arith.constant 16 : i32
          %shift_left3A_244 = vector.broadcast %shift_left3A_243 : i32 to vector<16xi32>
          %shift_left3A_245 = arith.shli %get3A_238, %shift_left3A_244 : vector<16xi32>
          %bitcast_convert_type3A_246 = tpu.bitcast %shift_left3A_245 : vector<16xi32> -> vector<16xf32>
          %and3A_247 = vector.broadcast %scan3A_146 : i32 to vector<16xi32>
          %and3A_248 = arith.andi %get3A_238, %and3A_247 : vector<16xi32>
          %bitcast_convert_type3A_249 = tpu.bitcast %and3A_248 : vector<16xi32> -> vector<16xf32>
          %mul3A_250 = arith.mulf %bitcast_convert_type3A, %bitcast_convert_type3A_246 : vector<16xf32>
          %swap3A = arith.index_cast %scan3A_229 : i32 to index
          %swap3A_251 = arith.constant 0 : index
          %swap3A_252 = tpu.vector_load %arg16[%swap3A, %swap3A_251] {strides = array<i32>} : memref<32x128xf32, #tpu.memory_space<vmem>>, vector<1x16xf32>,
          %swap3A_253 = vector.shape_cast %swap3A_252 : vector<1x16xf32> to vector<16xf32>
          %swap3A_254 = vector.shape_cast %mul3A_250 : vector<16xf32> to vector<1x16xf32>
          tpu.vector_store %arg16[%swap3A, %swap3A_251], %swap3A_254 {strides = array<i32>} : memref<32x128xf32, #tpu.memory_space<vmem>>, vector<1x16xf32>,
          %mul3A_255 = arith.mulf %bitcast_convert_type3A_242, %bitcast_convert_type3A_249 : vector<16xf32>
          %swap3A_256 = arith.index_cast %scan3A_229 : i32 to index
          %swap3A_257 = arith.constant 16 : index
          %swap3A_258 = tpu.vector_load %arg16[%swap3A_256, %swap3A_257] {strides = array<i32>} : memref<32x128xf32, #tpu.memory_space<vmem>>, vector<1x16xf32>,
          %swap3A_259 = vector.shape_cast %swap3A_258 : vector<1x16xf32> to vector<16xf32>
          %swap3A_260 = vector.shape_cast %mul3A_255 : vector<16xf32> to vector<1x16xf32>
          tpu.vector_store %arg16[%swap3A_256, %swap3A_257], %swap3A_260 {strides = array<i32>} : memref<32x128xf32, #tpu.memory_space<vmem>>, vector<1x16xf32>,
          %get3A_261 = arith.index_cast %scan3A_229 : i32 to index
          %get3A_262 = arith.constant 16 : index
          %get3A_263 = tpu.vector_load %arg11[%get3A_261, %get3A_262] {strides = array<i32>} : memref<64x64xi32, #tpu.memory_space<vmem>>, vector<1x16xi32>,
          %get3A_264 = vector.shape_cast %get3A_263 : vector<1x16xi32> to vector<16xi32>
          %add3A_265 = arith.constant 32 : i32
          %add3A_266 = arith.addi %add3A_265, %scan3A_229 : i32
          %get3A_267 = arith.index_cast %add3A_266 : i32 to index
          %get3A_268 = arith.constant 16 : index
          %get3A_269 = tpu.vector_load %arg11[%get3A_267, %get3A_268] {strides = array<i32>} : memref<64x64xi32, #tpu.memory_space<vmem>>, vector<1x16xi32>,
          %get3A_270 = vector.shape_cast %get3A_269 : vector<1x16xi32> to vector<16xi32>
          %shift_left3A_271 = arith.constant 16 : i32
          %shift_left3A_272 = vector.broadcast %shift_left3A_271 : i32 to vector<16xi32>
          %shift_left3A_273 = arith.shli %get3A_264, %shift_left3A_272 : vector<16xi32>
          %bitcast_convert_type3A_274 = tpu.bitcast %shift_left3A_273 : vector<16xi32> -> vector<16xf32>
          %and3A_275 = vector.broadcast %scan3A_146 : i32 to vector<16xi32>
          %and3A_276 = arith.andi %get3A_264, %and3A_275 : vector<16xi32>
          %bitcast_convert_type3A_277 = tpu.bitcast %and3A_276 : vector<16xi32> -> vector<16xf32>
          %shift_left3A_278 = arith.constant 16 : i32
          %shift_left3A_279 = vector.broadcast %shift_left3A_278 : i32 to vector<16xi32>
          %shift_left3A_280 = arith.shli %get3A_270, %shift_left3A_279 : vector<16xi32>
          %bitcast_convert_type3A_281 = tpu.bitcast %shift_left3A_280 : vector<16xi32> -> vector<16xf32>
          %and3A_282 = vector.broadcast %scan3A_146 : i32 to vector<16xi32>
          %and3A_283 = arith.andi %get3A_270, %and3A_282 : vector<16xi32>
          %bitcast_convert_type3A_284 = tpu.bitcast %and3A_283 : vector<16xi32> -> vector<16xf32>
          %mul3A_285 = arith.mulf %bitcast_convert_type3A_274, %bitcast_convert_type3A_281 : vector<16xf32>
          %swap3A_286 = arith.index_cast %scan3A_229 : i32 to index
          %swap3A_287 = arith.constant 32 : index
          %swap3A_288 = tpu.vector_load %arg16[%swap3A_286, %swap3A_287] {strides = array<i32>} : memref<32x128xf32, #tpu.memory_space<vmem>>, vector<1x16xf32>,
          %swap3A_289 = vector.shape_cast %swap3A_288 : vector<1x16xf32> to vector<16xf32>
          %swap3A_290 = vector.shape_cast %mul3A_285 : vector<16xf32> to vector<1x16xf32>
          tpu.vector_store %arg16[%swap3A_286, %swap3A_287], %swap3A_290 {strides = array<i32>} : memref<32x128xf32, #tpu.memory_space<vmem>>, vector<1x16xf32>,
          %mul3A_291 = arith.mulf %bitcast_convert_type3A_277, %bitcast_convert_type3A_284 : vector<16xf32>
          %swap3A_292 = arith.index_cast %scan3A_229 : i32 to index
          %swap3A_293 = arith.constant 48 : index
          %swap3A_294 = tpu.vector_load %arg16[%swap3A_292, %swap3A_293] {strides = array<i32>} : memref<32x128xf32, #tpu.memory_space<vmem>>, vector<1x16xf32>,
          %swap3A_295 = vector.shape_cast %swap3A_294 : vector<1x16xf32> to vector<16xf32>
          %swap3A_296 = vector.shape_cast %mul3A_291 : vector<16xf32> to vector<1x16xf32>
          tpu.vector_store %arg16[%swap3A_292, %swap3A_293], %swap3A_296 {strides = array<i32>} : memref<32x128xf32, #tpu.memory_space<vmem>>, vector<1x16xf32>,
          %get3A_297 = arith.index_cast %scan3A_229 : i32 to index
          %get3A_298 = arith.constant 32 : index
          %get3A_299 = tpu.vector_load %arg11[%get3A_297, %get3A_298] {strides = array<i32>} : memref<64x64xi32, #tpu.memory_space<vmem>>, vector<1x16xi32>,
          %get3A_300 = vector.shape_cast %get3A_299 : vector<1x16xi32> to vector<16xi32>
          %add3A_301 = arith.constant 32 : i32
          %add3A_302 = arith.addi %add3A_301, %scan3A_229 : i32
          %get3A_303 = arith.index_cast %add3A_302 : i32 to index
          %get3A_304 = arith.constant 32 : index
          %get3A_305 = tpu.vector_load %arg11[%get3A_303, %get3A_304] {strides = array<i32>} : memref<64x64xi32, #tpu.memory_space<vmem>>, vector<1x16xi32>,
          %get3A_306 = vector.shape_cast %get3A_305 : vector<1x16xi32> to vector<16xi32>
          %shift_left3A_307 = arith.constant 16 : i32
          %shift_left3A_308 = vector.broadcast %shift_left3A_307 : i32 to vector<16xi32>
          %shift_left3A_309 = arith.shli %get3A_300, %shift_left3A_308 : vector<16xi32>
          %bitcast_convert_type3A_310 = tpu.bitcast %shift_left3A_309 : vector<16xi32> -> vector<16xf32>
          %and3A_311 = vector.broadcast %scan3A_146 : i32 to vector<16xi32>
          %and3A_312 = arith.andi %get3A_300, %and3A_311 : vector<16xi32>
          %bitcast_convert_type3A_313 = tpu.bitcast %and3A_312 : vector<16xi32> -> vector<16xf32>
          %shift_left3A_314 = arith.constant 16 : i32
          %shift_left3A_315 = vector.broadcast %shift_left3A_314 : i32 to vector<16xi32>
          %shift_left3A_316 = arith.shli %get3A_306, %shift_left3A_315 : vector<16xi32>
          %bitcast_convert_type3A_317 = tpu.bitcast %shift_left3A_316 : vector<16xi32> -> vector<16xf32>
          %and3A_318 = vector.broadcast %scan3A_146 : i32 to vector<16xi32>
          %and3A_319 = arith.andi %get3A_306, %and3A_318 : vector<16xi32>
          %bitcast_convert_type3A_320 = tpu.bitcast %and3A_319 : vector<16xi32> -> vector<16xf32>
          %mul3A_321 = arith.mulf %bitcast_convert_type3A_310, %bitcast_convert_type3A_317 : vector<16xf32>
          %swap3A_322 = arith.index_cast %scan3A_229 : i32 to index
          %swap3A_323 = arith.constant 64 : index
          %swap3A_324 = tpu.vector_load %arg16[%swap3A_322, %swap3A_323] {strides = array<i32>} : memref<32x128xf32, #tpu.memory_space<vmem>>, vector<1x16xf32>,
          %swap3A_325 = vector.shape_cast %swap3A_324 : vector<1x16xf32> to vector<16xf32>
          %swap3A_326 = vector.shape_cast %mul3A_321 : vector<16xf32> to vector<1x16xf32>
          tpu.vector_store %arg16[%swap3A_322, %swap3A_323], %swap3A_326 {strides = array<i32>} : memref<32x128xf32, #tpu.memory_space<vmem>>, vector<1x16xf32>,
          %mul3A_327 = arith.mulf %bitcast_convert_type3A_313, %bitcast_convert_type3A_320 : vector<16xf32>
          %swap3A_328 = arith.index_cast %scan3A_229 : i32 to index
          %swap3A_329 = arith.constant 80 : index
          %swap3A_330 = tpu.vector_load %arg16[%swap3A_328, %swap3A_329] {strides = array<i32>} : memref<32x128xf32, #tpu.memory_space<vmem>>, vector<1x16xf32>,
          %swap3A_331 = vector.shape_cast %swap3A_330 : vector<1x16xf32> to vector<16xf32>
          %swap3A_332 = vector.shape_cast %mul3A_327 : vector<16xf32> to vector<1x16xf32>
          tpu.vector_store %arg16[%swap3A_328, %swap3A_329], %swap3A_332 {strides = array<i32>} : memref<32x128xf32, #tpu.memory_space<vmem>>, vector<1x16xf32>,
          %get3A_333 = arith.index_cast %scan3A_229 : i32 to index
          %get3A_334 = arith.constant 48 : index
          %get3A_335 = tpu.vector_load %arg11[%get3A_333, %get3A_334] {strides = array<i32>} : memref<64x64xi32, #tpu.memory_space<vmem>>, vector<1x16xi32>,
          %get3A_336 = vector.shape_cast %get3A_335 : vector<1x16xi32> to vector<16xi32>
          %add3A_337 = arith.constant 32 : i32
          %add3A_338 = arith.addi %add3A_337, %scan3A_229 : i32
          %get3A_339 = arith.index_cast %add3A_338 : i32 to index
          %get3A_340 = arith.constant 48 : index
          %get3A_341 = tpu.vector_load %arg11[%get3A_339, %get3A_340] {strides = array<i32>} : memref<64x64xi32, #tpu.memory_space<vmem>>, vector<1x16xi32>,
          %get3A_342 = vector.shape_cast %get3A_341 : vector<1x16xi32> to vector<16xi32>
          %shift_left3A_343 = arith.constant 16 : i32
          %shift_left3A_344 = vector.broadcast %shift_left3A_343 : i32 to vector<16xi32>
          %shift_left3A_345 = arith.shli %get3A_336, %shift_left3A_344 : vector<16xi32>
          %bitcast_convert_type3A_346 = tpu.bitcast %shift_left3A_345 : vector<16xi32> -> vector<16xf32>
          %and3A_347 = vector.broadcast %scan3A_146 : i32 to vector<16xi32>
          %and3A_348 = arith.andi %get3A_336, %and3A_347 : vector<16xi32>
          %bitcast_convert_type3A_349 = tpu.bitcast %and3A_348 : vector<16xi32> -> vector<16xf32>
          %shift_left3A_350 = arith.constant 16 : i32
          %shift_left3A_351 = vector.broadcast %shift_left3A_350 : i32 to vector<16xi32>
          %shift_left3A_352 = arith.shli %get3A_342, %shift_left3A_351 : vector<16xi32>
          %bitcast_convert_type3A_353 = tpu.bitcast %shift_left3A_352 : vector<16xi32> -> vector<16xf32>
          %and3A_354 = vector.broadcast %scan3A_146 : i32 to vector<16xi32>
          %and3A_355 = arith.andi %get3A_342, %and3A_354 : vector<16xi32>
          %bitcast_convert_type3A_356 = tpu.bitcast %and3A_355 : vector<16xi32> -> vector<16xf32>
          %mul3A_357 = arith.mulf %bitcast_convert_type3A_346, %bitcast_convert_type3A_353 : vector<16xf32>
          %swap3A_358 = arith.index_cast %scan3A_229 : i32 to index
          %swap3A_359 = arith.constant 96 : index
          %swap3A_360 = tpu.vector_load %arg16[%swap3A_358, %swap3A_359] {strides = array<i32>} : memref<32x128xf32, #tpu.memory_space<vmem>>, vector<1x16xf32>,
          %swap3A_361 = vector.shape_cast %swap3A_360 : vector<1x16xf32> to vector<16xf32>
          %swap3A_362 = vector.shape_cast %mul3A_357 : vector<16xf32> to vector<1x16xf32>
          tpu.vector_store %arg16[%swap3A_358, %swap3A_359], %swap3A_362 {strides = array<i32>} : memref<32x128xf32, #tpu.memory_space<vmem>>, vector<1x16xf32>,
          %mul3A_363 = arith.mulf %bitcast_convert_type3A_349, %bitcast_convert_type3A_356 : vector<16xf32>
          %swap3A_364 = arith.index_cast %scan3A_229 : i32 to index
          %swap3A_365 = arith.constant 112 : index
          %swap3A_366 = tpu.vector_load %arg16[%swap3A_364, %swap3A_365] {strides = array<i32>} : memref<32x128xf32, #tpu.memory_space<vmem>>, vector<1x16xf32>,
          %swap3A_367 = vector.shape_cast %swap3A_366 : vector<1x16xf32> to vector<16xf32>
          %swap3A_368 = vector.shape_cast %mul3A_363 : vector<16xf32> to vector<1x16xf32>
          tpu.vector_store %arg16[%swap3A_364, %swap3A_365], %swap3A_368 {strides = array<i32>} : memref<32x128xf32, #tpu.memory_space<vmem>>, vector<1x16xf32>,
        }
        %scan3A_151 = arith.constant 32 : i32
        %dma_start3A_152 = arith.constant 0 : i32
        %dma_start3A_153 = tpu.memref_slice %arg8[%add3A_127, %dma_start3A_152] : memref<80x32xi32, #tpu.memory_space<vmem>> -> memref<1x32xi32, #tpu.memory_space<vmem>>
        %dma_start3A_154 = tpu.memref_squeeze %dma_start3A_153 : memref<1x32xi32, #tpu.memory_space<vmem>> -> memref<32xi32, #tpu.memory_space<vmem>>
        %dma_start3A_155 = arith.constant 0 : i32
        %dma_start3A_156 = arith.constant 0 : i32
        %dma_start3A_157 = tpu.memref_slice %arg19[%dma_start3A_155, %dma_start3A_156] : memref<10112x128xf32, #tpu.memory_space<vmem_shared>> -> memref<10112x128xf32, #tpu.memory_space<vmem_shared>>
        tpu.enqueue_indirect_dma source(%arg16 : memref<32x128xf32, #tpu.memory_space<vmem>>) target(%dma_start3A_157 : memref<10112x128xf32, #tpu.memory_space<vmem_shared>>) offsets(%dma_start3A_154 : memref<32xi32, #tpu.memory_space<vmem>>) semaphore(%arg27 : memref<!tpu.dma_semaphore, #tpu.memory_space<semaphore_mem>>) {add = true}
        %add3A_158 = arith.constant 3 : i32
        %add3A_159 = arith.addi %mul3A_60, %add3A_158 : i32
        %sub3A = arith.constant 3 : i32
        %sub3A_160 = arith.subi %add3A_159, %sub3A : i32
        %dma_wait3A_161 = arith.constant 0 : i32
        %dma_wait3A_162 = tpu.memref_slice %arg8[%sub3A_160, %dma_wait3A_161] : memref<80x32xi32, #tpu.memory_space<vmem>> -> memref<1x32xi32, #tpu.memory_space<vmem>>
        %dma_wait3A_163 = tpu.memref_squeeze %dma_wait3A_162 : memref<1x32xi32, #tpu.memory_space<vmem>> -> memref<32xi32, #tpu.memory_space<vmem>>
        %dma_wait3A_164 = arith.constant 0 : i32
        %dma_wait3A_165 = arith.constant 0 : i32
        %dma_wait3A_166 = tpu.memref_slice %arg19[%dma_wait3A_164, %dma_wait3A_165] : memref<10112x128xf32, #tpu.memory_space<vmem_shared>> -> memref<10112x128xf32, #tpu.memory_space<vmem_shared>>
        tpu.wait_indirect_dma semaphore(%arg25 : memref<!tpu.dma_semaphore, #tpu.memory_space<semaphore_mem>>) src(%arg14 : memref<32x128xf32, #tpu.memory_space<vmem>>) dst(%dma_wait3A_166 : memref<10112x128xf32, #tpu.memory_space<vmem_shared>>)
        %add3A_167 = arith.constant 1 : i32
        %add3A_168 = arith.addi %scan3A_58, %add3A_167 : i32
        %lt3A_169 = arith.constant 16 : i32
        %lt3A_170 = arith.cmpi slt, %add3A_168, %lt3A_169 : i32
        %convert_element_type3A_171 = arith.extui %lt3A_170 : i1 to i32
        %cond3A_172 = arith.constant 0 : i32
        %cond3A_173 = arith.cmpi ne, %convert_element_type3A_171, %cond3A_172 : i32
        scf.if %cond3A_173 {
          %add3A_229 = arith.constant 3 : i32
          %add3A_230 = arith.addi %add3A_159, %add3A_229 : i32
          %dma_start3A_231 = arith.constant 0 : i32
          %dma_start3A_232 = tpu.memref_slice %arg7[%add3A_230, %dma_start3A_231] : memref<80x64xi32, #tpu.memory_space<vmem>> -> memref<1x64xi32, #tpu.memory_space<vmem>>
          %dma_start3A_233 = tpu.memref_squeeze %dma_start3A_232 : memref<1x64xi32, #tpu.memory_space<vmem>> -> memref<64xi32, #tpu.memory_space<vmem>>
          %dma_start3A_234 = arith.constant 0 : i32
          %dma_start3A_235 = arith.constant 0 : i32
          %dma_start3A_236 = tpu.memref_slice %arg4[%dma_start3A_234, %dma_start3A_235] : memref<10401x64xi32, #tpu.memory_space<hbm>> -> memref<10401x64xi32, #tpu.memory_space<hbm>>
          tpu.enqueue_indirect_dma source(%dma_start3A_236 : memref<10401x64xi32, #tpu.memory_space<hbm>>) target(%arg10 : memref<64x64xi32, #tpu.memory_space<vmem>>) offsets(%dma_start3A_233 : memref<64xi32, #tpu.memory_space<vmem>>) semaphore(%arg21 : memref<!tpu.dma_semaphore, #tpu.memory_space<semaphore_mem>>)
        } else {
        }
        %dma_wait3A_174 = arith.constant 0 : i32
        %dma_wait3A_175 = tpu.memref_slice %arg7[%add3A_159, %dma_wait3A_174] : memref<80x64xi32, #tpu.memory_space<vmem>> -> memref<1x64xi32, #tpu.memory_space<vmem>>
        %dma_wait3A_176 = tpu.memref_squeeze %dma_wait3A_175 : memref<1x64xi32, #tpu.memory_space<vmem>> -> memref<64xi32, #tpu.memory_space<vmem>>
        %dma_wait3A_177 = arith.constant 0 : i32
        %dma_wait3A_178 = arith.constant 0 : i32
        %dma_wait3A_179 = tpu.memref_slice %arg4[%dma_wait3A_177, %dma_wait3A_178] : memref<10401x64xi32, #tpu.memory_space<hbm>> -> memref<10401x64xi32, #tpu.memory_space<hbm>>
        tpu.wait_indirect_dma semaphore(%arg23 : memref<!tpu.dma_semaphore, #tpu.memory_space<semaphore_mem>>) src(%dma_wait3A_179 : memref<10401x64xi32, #tpu.memory_space<hbm>>) dst(%arg12 : memref<64x64xi32, #tpu.memory_space<vmem>>)
        %scan3A_180 = arith.constant 0 : i32
        %scan3A_181 = arith.constant -65536 : i32
        %scan3A_182 = arith.constant 0 : i32
        %scan3A_183 = arith.constant 32 : i32
        %scan3A_184 = arith.addi %scan3A_182, %scan3A_183 : i32
        %scan3A_185 = arith.constant 1 : i32
        scf.for %scan3A_229 = %scan3A_182 to %scan3A_184 step %scan3A_185  : i32 {
          %get3A = arith.index_cast %scan3A_229 : i32 to index
          %get3A_230 = arith.constant 0 : index
          %get3A_231 = tpu.vector_load %arg12[%get3A, %get3A_230] {strides = array<i32>} : memref<64x64xi32, #tpu.memory_space<vmem>>, vector<1x16xi32>,
          %get3A_232 = vector.shape_cast %get3A_231 : vector<1x16xi32> to vector<16xi32>
          %add3A_233 = arith.constant 32 : i32
          %add3A_234 = arith.addi %add3A_233, %scan3A_229 : i32
          %get3A_235 = arith.index_cast %add3A_234 : i32 to index
          %get3A_236 = arith.constant 0 : index
          %get3A_237 = tpu.vector_load %arg12[%get3A_235, %get3A_236] {strides = array<i32>} : memref<64x64xi32, #tpu.memory_space<vmem>>, vector<1x16xi32>,
          %get3A_238 = vector.shape_cast %get3A_237 : vector<1x16xi32> to vector<16xi32>
          %shift_left3A = arith.constant 16 : i32
          %shift_left3A_239 = vector.broadcast %shift_left3A : i32 to vector<16xi32>
          %shift_left3A_240 = arith.shli %get3A_232, %shift_left3A_239 : vector<16xi32>
          %bitcast_convert_type3A = tpu.bitcast %shift_left3A_240 : vector<16xi32> -> vector<16xf32>
          %and3A = vector.broadcast %scan3A_181 : i32 to vector<16xi32>
          %and3A_241 = arith.andi %get3A_232, %and3A : vector<16xi32>
          %bitcast_convert_type3A_242 = tpu.bitcast %and3A_241 : vector<16xi32> -> vector<16xf32>
          %shift_left3A_243 = arith.constant 16 : i32
          %shift_left3A_244 = vector.broadcast %shift_left3A_243 : i32 to vector<16xi32>
          %shift_left3A_245 = arith.shli %get3A_238, %shift_left3A_244 : vector<16xi32>
          %bitcast_convert_type3A_246 = tpu.bitcast %shift_left3A_245 : vector<16xi32> -> vector<16xf32>
          %and3A_247 = vector.broadcast %scan3A_181 : i32 to vector<16xi32>
          %and3A_248 = arith.andi %get3A_238, %and3A_247 : vector<16xi32>
          %bitcast_convert_type3A_249 = tpu.bitcast %and3A_248 : vector<16xi32> -> vector<16xf32>
          %mul3A_250 = arith.mulf %bitcast_convert_type3A, %bitcast_convert_type3A_246 : vector<16xf32>
          %swap3A = arith.index_cast %scan3A_229 : i32 to index
          %swap3A_251 = arith.constant 0 : index
          %swap3A_252 = tpu.vector_load %arg17[%swap3A, %swap3A_251] {strides = array<i32>} : memref<32x128xf32, #tpu.memory_space<vmem>>, vector<1x16xf32>,
          %swap3A_253 = vector.shape_cast %swap3A_252 : vector<1x16xf32> to vector<16xf32>
          %swap3A_254 = vector.shape_cast %mul3A_250 : vector<16xf32> to vector<1x16xf32>
          tpu.vector_store %arg17[%swap3A, %swap3A_251], %swap3A_254 {strides = array<i32>} : memref<32x128xf32, #tpu.memory_space<vmem>>, vector<1x16xf32>,
          %mul3A_255 = arith.mulf %bitcast_convert_type3A_242, %bitcast_convert_type3A_249 : vector<16xf32>
          %swap3A_256 = arith.index_cast %scan3A_229 : i32 to index
          %swap3A_257 = arith.constant 16 : index
          %swap3A_258 = tpu.vector_load %arg17[%swap3A_256, %swap3A_257] {strides = array<i32>} : memref<32x128xf32, #tpu.memory_space<vmem>>, vector<1x16xf32>,
          %swap3A_259 = vector.shape_cast %swap3A_258 : vector<1x16xf32> to vector<16xf32>
          %swap3A_260 = vector.shape_cast %mul3A_255 : vector<16xf32> to vector<1x16xf32>
          tpu.vector_store %arg17[%swap3A_256, %swap3A_257], %swap3A_260 {strides = array<i32>} : memref<32x128xf32, #tpu.memory_space<vmem>>, vector<1x16xf32>,
          %get3A_261 = arith.index_cast %scan3A_229 : i32 to index
          %get3A_262 = arith.constant 16 : index
          %get3A_263 = tpu.vector_load %arg12[%get3A_261, %get3A_262] {strides = array<i32>} : memref<64x64xi32, #tpu.memory_space<vmem>>, vector<1x16xi32>,
          %get3A_264 = vector.shape_cast %get3A_263 : vector<1x16xi32> to vector<16xi32>
          %add3A_265 = arith.constant 32 : i32
          %add3A_266 = arith.addi %add3A_265, %scan3A_229 : i32
          %get3A_267 = arith.index_cast %add3A_266 : i32 to index
          %get3A_268 = arith.constant 16 : index
          %get3A_269 = tpu.vector_load %arg12[%get3A_267, %get3A_268] {strides = array<i32>} : memref<64x64xi32, #tpu.memory_space<vmem>>, vector<1x16xi32>,
          %get3A_270 = vector.shape_cast %get3A_269 : vector<1x16xi32> to vector<16xi32>
          %shift_left3A_271 = arith.constant 16 : i32
          %shift_left3A_272 = vector.broadcast %shift_left3A_271 : i32 to vector<16xi32>
          %shift_left3A_273 = arith.shli %get3A_264, %shift_left3A_272 : vector<16xi32>
          %bitcast_convert_type3A_274 = tpu.bitcast %shift_left3A_273 : vector<16xi32> -> vector<16xf32>
          %and3A_275 = vector.broadcast %scan3A_181 : i32 to vector<16xi32>
          %and3A_276 = arith.andi %get3A_264, %and3A_275 : vector<16xi32>
          %bitcast_convert_type3A_277 = tpu.bitcast %and3A_276 : vector<16xi32> -> vector<16xf32>
          %shift_left3A_278 = arith.constant 16 : i32
          %shift_left3A_279 = vector.broadcast %shift_left3A_278 : i32 to vector<16xi32>
          %shift_left3A_280 = arith.shli %get3A_270, %shift_left3A_279 : vector<16xi32>
          %bitcast_convert_type3A_281 = tpu.bitcast %shift_left3A_280 : vector<16xi32> -> vector<16xf32>
          %and3A_282 = vector.broadcast %scan3A_181 : i32 to vector<16xi32>
          %and3A_283 = arith.andi %get3A_270, %and3A_282 : vector<16xi32>
          %bitcast_convert_type3A_284 = tpu.bitcast %and3A_283 : vector<16xi32> -> vector<16xf32>
          %mul3A_285 = arith.mulf %bitcast_convert_type3A_274, %bitcast_convert_type3A_281 : vector<16xf32>
          %swap3A_286 = arith.index_cast %scan3A_229 : i32 to index
          %swap3A_287 = arith.constant 32 : index
          %swap3A_288 = tpu.vector_load %arg17[%swap3A_286, %swap3A_287] {strides = array<i32>} : memref<32x128xf32, #tpu.memory_space<vmem>>, vector<1x16xf32>,
          %swap3A_289 = vector.shape_cast %swap3A_288 : vector<1x16xf32> to vector<16xf32>
          %swap3A_290 = vector.shape_cast %mul3A_285 : vector<16xf32> to vector<1x16xf32>
          tpu.vector_store %arg17[%swap3A_286, %swap3A_287], %swap3A_290 {strides = array<i32>} : memref<32x128xf32, #tpu.memory_space<vmem>>, vector<1x16xf32>,
          %mul3A_291 = arith.mulf %bitcast_convert_type3A_277, %bitcast_convert_type3A_284 : vector<16xf32>
          %swap3A_292 = arith.index_cast %scan3A_229 : i32 to index
          %swap3A_293 = arith.constant 48 : index
          %swap3A_294 = tpu.vector_load %arg17[%swap3A_292, %swap3A_293] {strides = array<i32>} : memref<32x128xf32, #tpu.memory_space<vmem>>, vector<1x16xf32>,
          %swap3A_295 = vector.shape_cast %swap3A_294 : vector<1x16xf32> to vector<16xf32>
          %swap3A_296 = vector.shape_cast %mul3A_291 : vector<16xf32> to vector<1x16xf32>
          tpu.vector_store %arg17[%swap3A_292, %swap3A_293], %swap3A_296 {strides = array<i32>} : memref<32x128xf32, #tpu.memory_space<vmem>>, vector<1x16xf32>,
          %get3A_297 = arith.index_cast %scan3A_229 : i32 to index
          %get3A_298 = arith.constant 32 : index
          %get3A_299 = tpu.vector_load %arg12[%get3A_297, %get3A_298] {strides = array<i32>} : memref<64x64xi32, #tpu.memory_space<vmem>>, vector<1x16xi32>,
          %get3A_300 = vector.shape_cast %get3A_299 : vector<1x16xi32> to vector<16xi32>
          %add3A_301 = arith.constant 32 : i32
          %add3A_302 = arith.addi %add3A_301, %scan3A_229 : i32
          %get3A_303 = arith.index_cast %add3A_302 : i32 to index
          %get3A_304 = arith.constant 32 : index
          %get3A_305 = tpu.vector_load %arg12[%get3A_303, %get3A_304] {strides = array<i32>} : memref<64x64xi32, #tpu.memory_space<vmem>>, vector<1x16xi32>,
          %get3A_306 = vector.shape_cast %get3A_305 : vector<1x16xi32> to vector<16xi32>
          %shift_left3A_307 = arith.constant 16 : i32
          %shift_left3A_308 = vector.broadcast %shift_left3A_307 : i32 to vector<16xi32>
          %shift_left3A_309 = arith.shli %get3A_300, %shift_left3A_308 : vector<16xi32>
          %bitcast_convert_type3A_310 = tpu.bitcast %shift_left3A_309 : vector<16xi32> -> vector<16xf32>
          %and3A_311 = vector.broadcast %scan3A_181 : i32 to vector<16xi32>
          %and3A_312 = arith.andi %get3A_300, %and3A_311 : vector<16xi32>
          %bitcast_convert_type3A_313 = tpu.bitcast %and3A_312 : vector<16xi32> -> vector<16xf32>
          %shift_left3A_314 = arith.constant 16 : i32
          %shift_left3A_315 = vector.broadcast %shift_left3A_314 : i32 to vector<16xi32>
          %shift_left3A_316 = arith.shli %get3A_306, %shift_left3A_315 : vector<16xi32>
          %bitcast_convert_type3A_317 = tpu.bitcast %shift_left3A_316 : vector<16xi32> -> vector<16xf32>
          %and3A_318 = vector.broadcast %scan3A_181 : i32 to vector<16xi32>
          %and3A_319 = arith.andi %get3A_306, %and3A_318 : vector<16xi32>
          %bitcast_convert_type3A_320 = tpu.bitcast %and3A_319 : vector<16xi32> -> vector<16xf32>
          %mul3A_321 = arith.mulf %bitcast_convert_type3A_310, %bitcast_convert_type3A_317 : vector<16xf32>
          %swap3A_322 = arith.index_cast %scan3A_229 : i32 to index
          %swap3A_323 = arith.constant 64 : index
          %swap3A_324 = tpu.vector_load %arg17[%swap3A_322, %swap3A_323] {strides = array<i32>} : memref<32x128xf32, #tpu.memory_space<vmem>>, vector<1x16xf32>,
          %swap3A_325 = vector.shape_cast %swap3A_324 : vector<1x16xf32> to vector<16xf32>
          %swap3A_326 = vector.shape_cast %mul3A_321 : vector<16xf32> to vector<1x16xf32>
          tpu.vector_store %arg17[%swap3A_322, %swap3A_323], %swap3A_326 {strides = array<i32>} : memref<32x128xf32, #tpu.memory_space<vmem>>, vector<1x16xf32>,
          %mul3A_327 = arith.mulf %bitcast_convert_type3A_313, %bitcast_convert_type3A_320 : vector<16xf32>
          %swap3A_328 = arith.index_cast %scan3A_229 : i32 to index
          %swap3A_329 = arith.constant 80 : index
          %swap3A_330 = tpu.vector_load %arg17[%swap3A_328, %swap3A_329] {strides = array<i32>} : memref<32x128xf32, #tpu.memory_space<vmem>>, vector<1x16xf32>,
          %swap3A_331 = vector.shape_cast %swap3A_330 : vector<1x16xf32> to vector<16xf32>
          %swap3A_332 = vector.shape_cast %mul3A_327 : vector<16xf32> to vector<1x16xf32>
          tpu.vector_store %arg17[%swap3A_328, %swap3A_329], %swap3A_332 {strides = array<i32>} : memref<32x128xf32, #tpu.memory_space<vmem>>, vector<1x16xf32>,
          %get3A_333 = arith.index_cast %scan3A_229 : i32 to index
          %get3A_334 = arith.constant 48 : index
          %get3A_335 = tpu.vector_load %arg12[%get3A_333, %get3A_334] {strides = array<i32>} : memref<64x64xi32, #tpu.memory_space<vmem>>, vector<1x16xi32>,
          %get3A_336 = vector.shape_cast %get3A_335 : vector<1x16xi32> to vector<16xi32>
          %add3A_337 = arith.constant 32 : i32
          %add3A_338 = arith.addi %add3A_337, %scan3A_229 : i32
          %get3A_339 = arith.index_cast %add3A_338 : i32 to index
          %get3A_340 = arith.constant 48 : index
          %get3A_341 = tpu.vector_load %arg12[%get3A_339, %get3A_340] {strides = array<i32>} : memref<64x64xi32, #tpu.memory_space<vmem>>, vector<1x16xi32>,
          %get3A_342 = vector.shape_cast %get3A_341 : vector<1x16xi32> to vector<16xi32>
          %shift_left3A_343 = arith.constant 16 : i32
          %shift_left3A_344 = vector.broadcast %shift_left3A_343 : i32 to vector<16xi32>
          %shift_left3A_345 = arith.shli %get3A_336, %shift_left3A_344 : vector<16xi32>
          %bitcast_convert_type3A_346 = tpu.bitcast %shift_left3A_345 : vector<16xi32> -> vector<16xf32>
          %and3A_347 = vector.broadcast %scan3A_181 : i32 to vector<16xi32>
          %and3A_348 = arith.andi %get3A_336, %and3A_347 : vector<16xi32>
          %bitcast_convert_type3A_349 = tpu.bitcast %and3A_348 : vector<16xi32> -> vector<16xf32>
          %shift_left3A_350 = arith.constant 16 : i32
          %shift_left3A_351 = vector.broadcast %shift_left3A_350 : i32 to vector<16xi32>
          %shift_left3A_352 = arith.shli %get3A_342, %shift_left3A_351 : vector<16xi32>
          %bitcast_convert_type3A_353 = tpu.bitcast %shift_left3A_352 : vector<16xi32> -> vector<16xf32>
          %and3A_354 = vector.broadcast %scan3A_181 : i32 to vector<16xi32>
          %and3A_355 = arith.andi %get3A_342, %and3A_354 : vector<16xi32>
          %bitcast_convert_type3A_356 = tpu.bitcast %and3A_355 : vector<16xi32> -> vector<16xf32>
          %mul3A_357 = arith.mulf %bitcast_convert_type3A_346, %bitcast_convert_type3A_353 : vector<16xf32>
          %swap3A_358 = arith.index_cast %scan3A_229 : i32 to index
          %swap3A_359 = arith.constant 96 : index
          %swap3A_360 = tpu.vector_load %arg17[%swap3A_358, %swap3A_359] {strides = array<i32>} : memref<32x128xf32, #tpu.memory_space<vmem>>, vector<1x16xf32>,
          %swap3A_361 = vector.shape_cast %swap3A_360 : vector<1x16xf32> to vector<16xf32>
          %swap3A_362 = vector.shape_cast %mul3A_357 : vector<16xf32> to vector<1x16xf32>
          tpu.vector_store %arg17[%swap3A_358, %swap3A_359], %swap3A_362 {strides = array<i32>} : memref<32x128xf32, #tpu.memory_space<vmem>>, vector<1x16xf32>,
          %mul3A_363 = arith.mulf %bitcast_convert_type3A_349, %bitcast_convert_type3A_356 : vector<16xf32>
          %swap3A_364 = arith.index_cast %scan3A_229 : i32 to index
          %swap3A_365 = arith.constant 112 : index
          %swap3A_366 = tpu.vector_load %arg17[%swap3A_364, %swap3A_365] {strides = array<i32>} : memref<32x128xf32, #tpu.memory_space<vmem>>, vector<1x16xf32>,
          %swap3A_367 = vector.shape_cast %swap3A_366 : vector<1x16xf32> to vector<16xf32>
          %swap3A_368 = vector.shape_cast %mul3A_363 : vector<16xf32> to vector<1x16xf32>
          tpu.vector_store %arg17[%swap3A_364, %swap3A_365], %swap3A_368 {strides = array<i32>} : memref<32x128xf32, #tpu.memory_space<vmem>>, vector<1x16xf32>,
        }
        %scan3A_186 = arith.constant 32 : i32
        %dma_start3A_187 = arith.constant 0 : i32
        %dma_start3A_188 = tpu.memref_slice %arg8[%add3A_159, %dma_start3A_187] : memref<80x32xi32, #tpu.memory_space<vmem>> -> memref<1x32xi32, #tpu.memory_space<vmem>>
        %dma_start3A_189 = tpu.memref_squeeze %dma_start3A_188 : memref<1x32xi32, #tpu.memory_space<vmem>> -> memref<32xi32, #tpu.memory_space<vmem>>
        %dma_start3A_190 = arith.constant 0 : i32
        %dma_start3A_191 = arith.constant 0 : i32
        %dma_start3A_192 = tpu.memref_slice %arg19[%dma_start3A_190, %dma_start3A_191] : memref<10112x128xf32, #tpu.memory_space<vmem_shared>> -> memref<10112x128xf32, #tpu.memory_space<vmem_shared>>
        tpu.enqueue_indirect_dma source(%arg17 : memref<32x128xf32, #tpu.memory_space<vmem>>) target(%dma_start3A_192 : memref<10112x128xf32, #tpu.memory_space<vmem_shared>>) offsets(%dma_start3A_189 : memref<32xi32, #tpu.memory_space<vmem>>) semaphore(%arg28 : memref<!tpu.dma_semaphore, #tpu.memory_space<semaphore_mem>>) {add = true}
        %add3A_193 = arith.constant 4 : i32
        %add3A_194 = arith.addi %mul3A_60, %add3A_193 : i32
        %sub3A_195 = arith.constant 3 : i32
        %sub3A_196 = arith.subi %add3A_194, %sub3A_195 : i32
        %dma_wait3A_197 = arith.constant 0 : i32
        %dma_wait3A_198 = tpu.memref_slice %arg8[%sub3A_196, %dma_wait3A_197] : memref<80x32xi32, #tpu.memory_space<vmem>> -> memref<1x32xi32, #tpu.memory_space<vmem>>
        %dma_wait3A_199 = tpu.memref_squeeze %dma_wait3A_198 : memref<1x32xi32, #tpu.memory_space<vmem>> -> memref<32xi32, #tpu.memory_space<vmem>>
        %dma_wait3A_200 = arith.constant 0 : i32
        %dma_wait3A_201 = arith.constant 0 : i32
        %dma_wait3A_202 = tpu.memref_slice %arg19[%dma_wait3A_200, %dma_wait3A_201] : memref<10112x128xf32, #tpu.memory_space<vmem_shared>> -> memref<10112x128xf32, #tpu.memory_space<vmem_shared>>
        tpu.wait_indirect_dma semaphore(%arg26 : memref<!tpu.dma_semaphore, #tpu.memory_space<semaphore_mem>>) src(%arg15 : memref<32x128xf32, #tpu.memory_space<vmem>>) dst(%dma_wait3A_202 : memref<10112x128xf32, #tpu.memory_space<vmem_shared>>)
        %add3A_203 = arith.constant 1 : i32
        %add3A_204 = arith.addi %scan3A_58, %add3A_203 : i32
        %lt3A_205 = arith.constant 16 : i32
        %lt3A_206 = arith.cmpi slt, %add3A_204, %lt3A_205 : i32
        %convert_element_type3A_207 = arith.extui %lt3A_206 : i1 to i32
        %cond3A_208 = arith.constant 0 : i32
        %cond3A_209 = arith.cmpi ne, %convert_element_type3A_207, %cond3A_208 : i32
        scf.if %cond3A_209 {
          %add3A_229 = arith.constant 3 : i32
          %add3A_230 = arith.addi %add3A_194, %add3A_229 : i32
          %dma_start3A_231 = arith.constant 0 : i32
          %dma_start3A_232 = tpu.memref_slice %arg7[%add3A_230, %dma_start3A_231] : memref<80x64xi32, #tpu.memory_space<vmem>> -> memref<1x64xi32, #tpu.memory_space<vmem>>
          %dma_start3A_233 = tpu.memref_squeeze %dma_start3A_232 : memref<1x64xi32, #tpu.memory_space<vmem>> -> memref<64xi32, #tpu.memory_space<vmem>>
          %dma_start3A_234 = arith.constant 0 : i32
          %dma_start3A_235 = arith.constant 0 : i32
          %dma_start3A_236 = tpu.memref_slice %arg4[%dma_start3A_234, %dma_start3A_235] : memref<10401x64xi32, #tpu.memory_space<hbm>> -> memref<10401x64xi32, #tpu.memory_space<hbm>>
          tpu.enqueue_indirect_dma source(%dma_start3A_236 : memref<10401x64xi32, #tpu.memory_space<hbm>>) target(%arg11 : memref<64x64xi32, #tpu.memory_space<vmem>>) offsets(%dma_start3A_233 : memref<64xi32, #tpu.memory_space<vmem>>) semaphore(%arg22 : memref<!tpu.dma_semaphore, #tpu.memory_space<semaphore_mem>>)
        } else {
        }
        %dma_wait3A_210 = arith.constant 0 : i32
        %dma_wait3A_211 = tpu.memref_slice %arg7[%add3A_194, %dma_wait3A_210] : memref<80x64xi32, #tpu.memory_space<vmem>> -> memref<1x64xi32, #tpu.memory_space<vmem>>
        %dma_wait3A_212 = tpu.memref_squeeze %dma_wait3A_211 : memref<1x64xi32, #tpu.memory_space<vmem>> -> memref<64xi32, #tpu.memory_space<vmem>>
        %dma_wait3A_213 = arith.constant 0 : i32
        %dma_wait3A_214 = arith.constant 0 : i32
        %dma_wait3A_215 = tpu.memref_slice %arg4[%dma_wait3A_213, %dma_wait3A_214] : memref<10401x64xi32, #tpu.memory_space<hbm>> -> memref<10401x64xi32, #tpu.memory_space<hbm>>
        tpu.wait_indirect_dma semaphore(%arg24 : memref<!tpu.dma_semaphore, #tpu.memory_space<semaphore_mem>>) src(%dma_wait3A_215 : memref<10401x64xi32, #tpu.memory_space<hbm>>) dst(%arg13 : memref<64x64xi32, #tpu.memory_space<vmem>>)
        %scan3A_216 = arith.constant 0 : i32
        %scan3A_217 = arith.constant -65536 : i32
        %scan3A_218 = arith.constant 0 : i32
        %scan3A_219 = arith.constant 32 : i32
        %scan3A_220 = arith.addi %scan3A_218, %scan3A_219 : i32
        %scan3A_221 = arith.constant 1 : i32
        scf.for %scan3A_229 = %scan3A_218 to %scan3A_220 step %scan3A_221  : i32 {
          %get3A = arith.index_cast %scan3A_229 : i32 to index
          %get3A_230 = arith.constant 0 : index
          %get3A_231 = tpu.vector_load %arg13[%get3A, %get3A_230] {strides = array<i32>} : memref<64x64xi32, #tpu.memory_space<vmem>>, vector<1x16xi32>,
          %get3A_232 = vector.shape_cast %get3A_231 : vector<1x16xi32> to vector<16xi32>
          %add3A_233 = arith.constant 32 : i32
          %add3A_234 = arith.addi %add3A_233, %scan3A_229 : i32
          %get3A_235 = arith.index_cast %add3A_234 : i32 to index
          %get3A_236 = arith.constant 0 : index
          %get3A_237 = tpu.vector_load %arg13[%get3A_235, %get3A_236] {strides = array<i32>} : memref<64x64xi32, #tpu.memory_space<vmem>>, vector<1x16xi32>,
          %get3A_238 = vector.shape_cast %get3A_237 : vector<1x16xi32> to vector<16xi32>
          %shift_left3A = arith.constant 16 : i32
          %shift_left3A_239 = vector.broadcast %shift_left3A : i32 to vector<16xi32>
          %shift_left3A_240 = arith.shli %get3A_232, %shift_left3A_239 : vector<16xi32>
          %bitcast_convert_type3A = tpu.bitcast %shift_left3A_240 : vector<16xi32> -> vector<16xf32>
          %and3A = vector.broadcast %scan3A_217 : i32 to vector<16xi32>
          %and3A_241 = arith.andi %get3A_232, %and3A : vector<16xi32>
          %bitcast_convert_type3A_242 = tpu.bitcast %and3A_241 : vector<16xi32> -> vector<16xf32>
          %shift_left3A_243 = arith.constant 16 : i32
          %shift_left3A_244 = vector.broadcast %shift_left3A_243 : i32 to vector<16xi32>
          %shift_left3A_245 = arith.shli %get3A_238, %shift_left3A_244 : vector<16xi32>
          %bitcast_convert_type3A_246 = tpu.bitcast %shift_left3A_245 : vector<16xi32> -> vector<16xf32>
          %and3A_247 = vector.broadcast %scan3A_217 : i32 to vector<16xi32>
          %and3A_248 = arith.andi %get3A_238, %and3A_247 : vector<16xi32>
          %bitcast_convert_type3A_249 = tpu.bitcast %and3A_248 : vector<16xi32> -> vector<16xf32>
          %mul3A_250 = arith.mulf %bitcast_convert_type3A, %bitcast_convert_type3A_246 : vector<16xf32>
          %swap3A = arith.index_cast %scan3A_229 : i32 to index
          %swap3A_251 = arith.constant 0 : index
          %swap3A_252 = tpu.vector_load %arg18[%swap3A, %swap3A_251] {strides = array<i32>} : memref<32x128xf32, #tpu.memory_space<vmem>>, vector<1x16xf32>,
          %swap3A_253 = vector.shape_cast %swap3A_252 : vector<1x16xf32> to vector<16xf32>
          %swap3A_254 = vector.shape_cast %mul3A_250 : vector<16xf32> to vector<1x16xf32>
          tpu.vector_store %arg18[%swap3A, %swap3A_251], %swap3A_254 {strides = array<i32>} : memref<32x128xf32, #tpu.memory_space<vmem>>, vector<1x16xf32>,
          %mul3A_255 = arith.mulf %bitcast_convert_type3A_242, %bitcast_convert_type3A_249 : vector<16xf32>
          %swap3A_256 = arith.index_cast %scan3A_229 : i32 to index
          %swap3A_257 = arith.constant 16 : index
          %swap3A_258 = tpu.vector_load %arg18[%swap3A_256, %swap3A_257] {strides = array<i32>} : memref<32x128xf32, #tpu.memory_space<vmem>>, vector<1x16xf32>,
          %swap3A_259 = vector.shape_cast %swap3A_258 : vector<1x16xf32> to vector<16xf32>
          %swap3A_260 = vector.shape_cast %mul3A_255 : vector<16xf32> to vector<1x16xf32>
          tpu.vector_store %arg18[%swap3A_256, %swap3A_257], %swap3A_260 {strides = array<i32>} : memref<32x128xf32, #tpu.memory_space<vmem>>, vector<1x16xf32>,
          %get3A_261 = arith.index_cast %scan3A_229 : i32 to index
          %get3A_262 = arith.constant 16 : index
          %get3A_263 = tpu.vector_load %arg13[%get3A_261, %get3A_262] {strides = array<i32>} : memref<64x64xi32, #tpu.memory_space<vmem>>, vector<1x16xi32>,
          %get3A_264 = vector.shape_cast %get3A_263 : vector<1x16xi32> to vector<16xi32>
          %add3A_265 = arith.constant 32 : i32
          %add3A_266 = arith.addi %add3A_265, %scan3A_229 : i32
          %get3A_267 = arith.index_cast %add3A_266 : i32 to index
          %get3A_268 = arith.constant 16 : index
          %get3A_269 = tpu.vector_load %arg13[%get3A_267, %get3A_268] {strides = array<i32>} : memref<64x64xi32, #tpu.memory_space<vmem>>, vector<1x16xi32>,
          %get3A_270 = vector.shape_cast %get3A_269 : vector<1x16xi32> to vector<16xi32>
          %shift_left3A_271 = arith.constant 16 : i32
          %shift_left3A_272 = vector.broadcast %shift_left3A_271 : i32 to vector<16xi32>
          %shift_left3A_273 = arith.shli %get3A_264, %shift_left3A_272 : vector<16xi32>
          %bitcast_convert_type3A_274 = tpu.bitcast %shift_left3A_273 : vector<16xi32> -> vector<16xf32>
          %and3A_275 = vector.broadcast %scan3A_217 : i32 to vector<16xi32>
          %and3A_276 = arith.andi %get3A_264, %and3A_275 : vector<16xi32>
          %bitcast_convert_type3A_277 = tpu.bitcast %and3A_276 : vector<16xi32> -> vector<16xf32>
          %shift_left3A_278 = arith.constant 16 : i32
          %shift_left3A_279 = vector.broadcast %shift_left3A_278 : i32 to vector<16xi32>
          %shift_left3A_280 = arith.shli %get3A_270, %shift_left3A_279 : vector<16xi32>
          %bitcast_convert_type3A_281 = tpu.bitcast %shift_left3A_280 : vector<16xi32> -> vector<16xf32>
          %and3A_282 = vector.broadcast %scan3A_217 : i32 to vector<16xi32>
          %and3A_283 = arith.andi %get3A_270, %and3A_282 : vector<16xi32>
          %bitcast_convert_type3A_284 = tpu.bitcast %and3A_283 : vector<16xi32> -> vector<16xf32>
          %mul3A_285 = arith.mulf %bitcast_convert_type3A_274, %bitcast_convert_type3A_281 : vector<16xf32>
          %swap3A_286 = arith.index_cast %scan3A_229 : i32 to index
          %swap3A_287 = arith.constant 32 : index
          %swap3A_288 = tpu.vector_load %arg18[%swap3A_286, %swap3A_287] {strides = array<i32>} : memref<32x128xf32, #tpu.memory_space<vmem>>, vector<1x16xf32>,
          %swap3A_289 = vector.shape_cast %swap3A_288 : vector<1x16xf32> to vector<16xf32>
          %swap3A_290 = vector.shape_cast %mul3A_285 : vector<16xf32> to vector<1x16xf32>
          tpu.vector_store %arg18[%swap3A_286, %swap3A_287], %swap3A_290 {strides = array<i32>} : memref<32x128xf32, #tpu.memory_space<vmem>>, vector<1x16xf32>,
          %mul3A_291 = arith.mulf %bitcast_convert_type3A_277, %bitcast_convert_type3A_284 : vector<16xf32>
          %swap3A_292 = arith.index_cast %scan3A_229 : i32 to index
          %swap3A_293 = arith.constant 48 : index
          %swap3A_294 = tpu.vector_load %arg18[%swap3A_292, %swap3A_293] {strides = array<i32>} : memref<32x128xf32, #tpu.memory_space<vmem>>, vector<1x16xf32>,
          %swap3A_295 = vector.shape_cast %swap3A_294 : vector<1x16xf32> to vector<16xf32>
          %swap3A_296 = vector.shape_cast %mul3A_291 : vector<16xf32> to vector<1x16xf32>
          tpu.vector_store %arg18[%swap3A_292, %swap3A_293], %swap3A_296 {strides = array<i32>} : memref<32x128xf32, #tpu.memory_space<vmem>>, vector<1x16xf32>,
          %get3A_297 = arith.index_cast %scan3A_229 : i32 to index
          %get3A_298 = arith.constant 32 : index
          %get3A_299 = tpu.vector_load %arg13[%get3A_297, %get3A_298] {strides = array<i32>} : memref<64x64xi32, #tpu.memory_space<vmem>>, vector<1x16xi32>,
          %get3A_300 = vector.shape_cast %get3A_299 : vector<1x16xi32> to vector<16xi32>
          %add3A_301 = arith.constant 32 : i32
          %add3A_302 = arith.addi %add3A_301, %scan3A_229 : i32
          %get3A_303 = arith.index_cast %add3A_302 : i32 to index
          %get3A_304 = arith.constant 32 : index
          %get3A_305 = tpu.vector_load %arg13[%get3A_303, %get3A_304] {strides = array<i32>} : memref<64x64xi32, #tpu.memory_space<vmem>>, vector<1x16xi32>,
          %get3A_306 = vector.shape_cast %get3A_305 : vector<1x16xi32> to vector<16xi32>
          %shift_left3A_307 = arith.constant 16 : i32
          %shift_left3A_308 = vector.broadcast %shift_left3A_307 : i32 to vector<16xi32>
          %shift_left3A_309 = arith.shli %get3A_300, %shift_left3A_308 : vector<16xi32>
          %bitcast_convert_type3A_310 = tpu.bitcast %shift_left3A_309 : vector<16xi32> -> vector<16xf32>
          %and3A_311 = vector.broadcast %scan3A_217 : i32 to vector<16xi32>
          %and3A_312 = arith.andi %get3A_300, %and3A_311 : vector<16xi32>
          %bitcast_convert_type3A_313 = tpu.bitcast %and3A_312 : vector<16xi32> -> vector<16xf32>
          %shift_left3A_314 = arith.constant 16 : i32
          %shift_left3A_315 = vector.broadcast %shift_left3A_314 : i32 to vector<16xi32>
          %shift_left3A_316 = arith.shli %get3A_306, %shift_left3A_315 : vector<16xi32>
          %bitcast_convert_type3A_317 = tpu.bitcast %shift_left3A_316 : vector<16xi32> -> vector<16xf32>
          %and3A_318 = vector.broadcast %scan3A_217 : i32 to vector<16xi32>
          %and3A_319 = arith.andi %get3A_306, %and3A_318 : vector<16xi32>
          %bitcast_convert_type3A_320 = tpu.bitcast %and3A_319 : vector<16xi32> -> vector<16xf32>
          %mul3A_321 = arith.mulf %bitcast_convert_type3A_310, %bitcast_convert_type3A_317 : vector<16xf32>
          %swap3A_322 = arith.index_cast %scan3A_229 : i32 to index
          %swap3A_323 = arith.constant 64 : index
          %swap3A_324 = tpu.vector_load %arg18[%swap3A_322, %swap3A_323] {strides = array<i32>} : memref<32x128xf32, #tpu.memory_space<vmem>>, vector<1x16xf32>,
          %swap3A_325 = vector.shape_cast %swap3A_324 : vector<1x16xf32> to vector<16xf32>
          %swap3A_326 = vector.shape_cast %mul3A_321 : vector<16xf32> to vector<1x16xf32>
          tpu.vector_store %arg18[%swap3A_322, %swap3A_323], %swap3A_326 {strides = array<i32>} : memref<32x128xf32, #tpu.memory_space<vmem>>, vector<1x16xf32>,
          %mul3A_327 = arith.mulf %bitcast_convert_type3A_313, %bitcast_convert_type3A_320 : vector<16xf32>
          %swap3A_328 = arith.index_cast %scan3A_229 : i32 to index
          %swap3A_329 = arith.constant 80 : index
          %swap3A_330 = tpu.vector_load %arg18[%swap3A_328, %swap3A_329] {strides = array<i32>} : memref<32x128xf32, #tpu.memory_space<vmem>>, vector<1x16xf32>,
          %swap3A_331 = vector.shape_cast %swap3A_330 : vector<1x16xf32> to vector<16xf32>
          %swap3A_332 = vector.shape_cast %mul3A_327 : vector<16xf32> to vector<1x16xf32>
          tpu.vector_store %arg18[%swap3A_328, %swap3A_329], %swap3A_332 {strides = array<i32>} : memref<32x128xf32, #tpu.memory_space<vmem>>, vector<1x16xf32>,
          %get3A_333 = arith.index_cast %scan3A_229 : i32 to index
          %get3A_334 = arith.constant 48 : index
          %get3A_335 = tpu.vector_load %arg13[%get3A_333, %get3A_334] {strides = array<i32>} : memref<64x64xi32, #tpu.memory_space<vmem>>, vector<1x16xi32>,
          %get3A_336 = vector.shape_cast %get3A_335 : vector<1x16xi32> to vector<16xi32>
          %add3A_337 = arith.constant 32 : i32
          %add3A_338 = arith.addi %add3A_337, %scan3A_229 : i32
          %get3A_339 = arith.index_cast %add3A_338 : i32 to index
          %get3A_340 = arith.constant 48 : index
          %get3A_341 = tpu.vector_load %arg13[%get3A_339, %get3A_340] {strides = array<i32>} : memref<64x64xi32, #tpu.memory_space<vmem>>, vector<1x16xi32>,
          %get3A_342 = vector.shape_cast %get3A_341 : vector<1x16xi32> to vector<16xi32>
          %shift_left3A_343 = arith.constant 16 : i32
          %shift_left3A_344 = vector.broadcast %shift_left3A_343 : i32 to vector<16xi32>
          %shift_left3A_345 = arith.shli %get3A_336, %shift_left3A_344 : vector<16xi32>
          %bitcast_convert_type3A_346 = tpu.bitcast %shift_left3A_345 : vector<16xi32> -> vector<16xf32>
          %and3A_347 = vector.broadcast %scan3A_217 : i32 to vector<16xi32>
          %and3A_348 = arith.andi %get3A_336, %and3A_347 : vector<16xi32>
          %bitcast_convert_type3A_349 = tpu.bitcast %and3A_348 : vector<16xi32> -> vector<16xf32>
          %shift_left3A_350 = arith.constant 16 : i32
          %shift_left3A_351 = vector.broadcast %shift_left3A_350 : i32 to vector<16xi32>
          %shift_left3A_352 = arith.shli %get3A_342, %shift_left3A_351 : vector<16xi32>
          %bitcast_convert_type3A_353 = tpu.bitcast %shift_left3A_352 : vector<16xi32> -> vector<16xf32>
          %and3A_354 = vector.broadcast %scan3A_217 : i32 to vector<16xi32>
          %and3A_355 = arith.andi %get3A_342, %and3A_354 : vector<16xi32>
          %bitcast_convert_type3A_356 = tpu.bitcast %and3A_355 : vector<16xi32> -> vector<16xf32>
          %mul3A_357 = arith.mulf %bitcast_convert_type3A_346, %bitcast_convert_type3A_353 : vector<16xf32>
          %swap3A_358 = arith.index_cast %scan3A_229 : i32 to index
          %swap3A_359 = arith.constant 96 : index
          %swap3A_360 = tpu.vector_load %arg18[%swap3A_358, %swap3A_359] {strides = array<i32>} : memref<32x128xf32, #tpu.memory_space<vmem>>, vector<1x16xf32>,
          %swap3A_361 = vector.shape_cast %swap3A_360 : vector<1x16xf32> to vector<16xf32>
          %swap3A_362 = vector.shape_cast %mul3A_357 : vector<16xf32> to vector<1x16xf32>
          tpu.vector_store %arg18[%swap3A_358, %swap3A_359], %swap3A_362 {strides = array<i32>} : memref<32x128xf32, #tpu.memory_space<vmem>>, vector<1x16xf32>,
          %mul3A_363 = arith.mulf %bitcast_convert_type3A_349, %bitcast_convert_type3A_356 : vector<16xf32>
          %swap3A_364 = arith.index_cast %scan3A_229 : i32 to index
          %swap3A_365 = arith.constant 112 : index
          %swap3A_366 = tpu.vector_load %arg18[%swap3A_364, %swap3A_365] {strides = array<i32>} : memref<32x128xf32, #tpu.memory_space<vmem>>, vector<1x16xf32>,
          %swap3A_367 = vector.shape_cast %swap3A_366 : vector<1x16xf32> to vector<16xf32>
          %swap3A_368 = vector.shape_cast %mul3A_363 : vector<16xf32> to vector<1x16xf32>
          tpu.vector_store %arg18[%swap3A_364, %swap3A_365], %swap3A_368 {strides = array<i32>} : memref<32x128xf32, #tpu.memory_space<vmem>>, vector<1x16xf32>,
        }
        %scan3A_222 = arith.constant 32 : i32
        %dma_start3A_223 = arith.constant 0 : i32
        %dma_start3A_224 = tpu.memref_slice %arg8[%add3A_194, %dma_start3A_223] : memref<80x32xi32, #tpu.memory_space<vmem>> -> memref<1x32xi32, #tpu.memory_space<vmem>>
        %dma_start3A_225 = tpu.memref_squeeze %dma_start3A_224 : memref<1x32xi32, #tpu.memory_space<vmem>> -> memref<32xi32, #tpu.memory_space<vmem>>
        %dma_start3A_226 = arith.constant 0 : i32
        %dma_start3A_227 = arith.constant 0 : i32
        %dma_start3A_228 = tpu.memref_slice %arg19[%dma_start3A_226, %dma_start3A_227] : memref<10112x128xf32, #tpu.memory_space<vmem_shared>> -> memref<10112x128xf32, #tpu.memory_space<vmem_shared>>
        tpu.enqueue_indirect_dma source(%arg18 : memref<32x128xf32, #tpu.memory_space<vmem>>) target(%dma_start3A_228 : memref<10112x128xf32, #tpu.memory_space<vmem_shared>>) offsets(%dma_start3A_225 : memref<32xi32, #tpu.memory_space<vmem>>) semaphore(%arg29 : memref<!tpu.dma_semaphore, #tpu.memory_space<semaphore_mem>>) {add = true}
      }
      %scan3A_37 = arith.constant 16 : i32
      %dma_wait3A = arith.constant 77 : i32
      %dma_wait3A_38 = arith.constant 0 : i32
      %dma_wait3A_39 = tpu.memref_slice %arg8[%dma_wait3A, %dma_wait3A_38] : memref<80x32xi32, #tpu.memory_space<vmem>> -> memref<1x32xi32, #tpu.memory_space<vmem>>
      %dma_wait3A_40 = tpu.memref_squeeze %dma_wait3A_39 : memref<1x32xi32, #tpu.memory_space<vmem>> -> memref<32xi32, #tpu.memory_space<vmem>>
      %dma_wait3A_41 = arith.constant 0 : i32
      %dma_wait3A_42 = arith.constant 0 : i32
      %dma_wait3A_43 = tpu.memref_slice %arg19[%dma_wait3A_41, %dma_wait3A_42] : memref<10112x128xf32, #tpu.memory_space<vmem_shared>> -> memref<10112x128xf32, #tpu.memory_space<vmem_shared>>
      tpu.wait_indirect_dma semaphore(%arg27 : memref<!tpu.dma_semaphore, #tpu.memory_space<semaphore_mem>>) src(%arg16 : memref<32x128xf32, #tpu.memory_space<vmem>>) dst(%dma_wait3A_43 : memref<10112x128xf32, #tpu.memory_space<vmem_shared>>)
      %dma_wait3A_44 = arith.constant 78 : i32
      %dma_wait3A_45 = arith.constant 0 : i32
      %dma_wait3A_46 = tpu.memref_slice %arg8[%dma_wait3A_44, %dma_wait3A_45] : memref<80x32xi32, #tpu.memory_space<vmem>> -> memref<1x32xi32, #tpu.memory_space<vmem>>
      %dma_wait3A_47 = tpu.memref_squeeze %dma_wait3A_46 : memref<1x32xi32, #tpu.memory_space<vmem>> -> memref<32xi32, #tpu.memory_space<vmem>>
      %dma_wait3A_48 = arith.constant 0 : i32
      %dma_wait3A_49 = arith.constant 0 : i32
      %dma_wait3A_50 = tpu.memref_slice %arg19[%dma_wait3A_48, %dma_wait3A_49] : memref<10112x128xf32, #tpu.memory_space<vmem_shared>> -> memref<10112x128xf32, #tpu.memory_space<vmem_shared>>
      tpu.wait_indirect_dma semaphore(%arg28 : memref<!tpu.dma_semaphore, #tpu.memory_space<semaphore_mem>>) src(%arg17 : memref<32x128xf32, #tpu.memory_space<vmem>>) dst(%dma_wait3A_50 : memref<10112x128xf32, #tpu.memory_space<vmem_shared>>)
      %dma_wait3A_51 = arith.constant 79 : i32
      %dma_wait3A_52 = arith.constant 0 : i32
      %dma_wait3A_53 = tpu.memref_slice %arg8[%dma_wait3A_51, %dma_wait3A_52] : memref<80x32xi32, #tpu.memory_space<vmem>> -> memref<1x32xi32, #tpu.memory_space<vmem>>
      %dma_wait3A_54 = tpu.memref_squeeze %dma_wait3A_53 : memref<1x32xi32, #tpu.memory_space<vmem>> -> memref<32xi32, #tpu.memory_space<vmem>>
      %dma_wait3A_55 = arith.constant 0 : i32
      %dma_wait3A_56 = arith.constant 0 : i32
      %dma_wait3A_57 = tpu.memref_slice %arg19[%dma_wait3A_55, %dma_wait3A_56] : memref<10112x128xf32, #tpu.memory_space<vmem_shared>> -> memref<10112x128xf32, #tpu.memory_space<vmem_shared>>
      tpu.wait_indirect_dma semaphore(%arg29 : memref<!tpu.dma_semaphore, #tpu.memory_space<semaphore_mem>>) src(%arg18 : memref<32x128xf32, #tpu.memory_space<vmem>>) dst(%dma_wait3A_57 : memref<10112x128xf32, #tpu.memory_space<vmem_shared>>)
    }
    %scan3A_7 = arith.constant 4 : i32
    %barrier3A_8 = arith.constant 0 : index
    tpu.barrier barrier_id(%barrier3A_8)
    %mul3A_9 = arith.constant 632 : i32
    %mul3A_10 = arith.muli %arg1, %mul3A_9 : i32
    "tpu.region"() ({
      %run_scoped3A = tpu.sem_alloc : memref<!tpu.dma_semaphore, #tpu.memory_space<semaphore_mem>>
      %dma_start3A = arith.constant 0 : i32
      %dma_start3A_11 = tpu.memref_slice %arg6[%arg0, %mul3A_10, %dma_start3A] : memref<2x10112x128xf32, #tpu.memory_space<hbm>> -> memref<1x632x128xf32, #tpu.memory_space<hbm>>
      %dma_start3A_12 = tpu.memref_squeeze %dma_start3A_11 : memref<1x632x128xf32, #tpu.memory_space<hbm>> -> memref<632x128xf32, #tpu.memory_space<hbm>>
      %dma_start3A_13 = arith.constant 0 : i32
      %dma_start3A_14 = tpu.memref_slice %arg19[%mul3A_10, %dma_start3A_13] : memref<10112x128xf32, #tpu.memory_space<vmem_shared>> -> memref<632x128xf32, #tpu.memory_space<vmem_shared>>
      tpu.enqueue_dma source(%dma_start3A_14 : memref<632x128xf32, #tpu.memory_space<vmem_shared>>) target(%dma_start3A_12 : memref<632x128xf32, #tpu.memory_space<hbm>>) target_semaphore(%run_scoped3A : memref<!tpu.dma_semaphore, #tpu.memory_space<semaphore_mem>>)
      %dma_wait3A = arith.constant 0 : i32
      %dma_wait3A_15 = tpu.memref_slice %arg6[%arg0, %mul3A_10, %dma_wait3A] : memref<2x10112x128xf32, #tpu.memory_space<hbm>> -> memref<1x632x128xf32, #tpu.memory_space<hbm>>
      %dma_wait3A_16 = tpu.memref_squeeze %dma_wait3A_15 : memref<1x632x128xf32, #tpu.memory_space<hbm>> -> memref<632x128xf32, #tpu.memory_space<hbm>>
      %dma_wait3A_17 = arith.constant 0 : i32
      %dma_wait3A_18 = tpu.memref_slice %arg19[%mul3A_10, %dma_wait3A_17] : memref<10112x128xf32, #tpu.memory_space<vmem_shared>> -> memref<632x128xf32, #tpu.memory_space<vmem_shared>>
      tpu.wait_dma2 semaphore(%run_scoped3A : memref<!tpu.dma_semaphore, #tpu.memory_space<semaphore_mem>>) src(%dma_wait3A_18 : memref<632x128xf32, #tpu.memory_space<vmem_shared>>) dst(%dma_wait3A_16 : memref<632x128xf32, #tpu.memory_space<hbm>>)
      tpu.yield
    }) : () -> ()
    return
  }
}

module attributes {stable_mosaic.version = 14 : i64} {
  func.func @body(%arg0: memref<408x128xf32, #tpu.memory_space<vmem>>, %arg1: memref<128x128xf32, #tpu.memory_space<vmem>>, %arg2: memref<408x128xf32, #tpu.memory_space<vmem>>) attributes {dimension_semantics = [], scalar_prefetch = 0 : i64, scratch_operands = 0 : i64, tpu.core_type = #tpu.core_type<tc>} {
    %get3A = arith.constant 0 : index
    %get3A_0 = arith.constant 0 : index
    %get3A_1 = vector.load %arg0[%get3A, %get3A_0] : memref<408x128xf32, #tpu.memory_space<vmem>>, vector<408x128xf32>
    %get3A_2 = arith.constant 0 : index
    %get3A_3 = arith.constant 0 : index
    %get3A_4 = vector.load %arg1[%get3A_2, %get3A_3] : memref<128x128xf32, #tpu.memory_space<vmem>>, vector<128x128xf32>
    %dot_general3A = arith.constant dense<0.000000e+00> : vector<408x128xf32>
    %dot_general3A_5 = tpu.matmul %get3A_1, %get3A_4, %dot_general3A {dimension_numbers = #tpu.dot_dimension_numbers<[1], [0], [0], [1], [0, 0, 1, 1], [], []>, transpose_lhs_hint = false} : vector<408x128xf32>, vector<128x128xf32>, vector<408x128xf32> -> vector<408x128xf32>
    %swap3A = arith.constant 0 : index
    %swap3A_6 = arith.constant 0 : index
    %swap3A_7 = vector.load %arg2[%swap3A, %swap3A_6] : memref<408x128xf32, #tpu.memory_space<vmem>>, vector<408x128xf32>
    tpu.vector_store %arg2[%swap3A, %swap3A_6], %dot_general3A_5 {strides = array<i32>} : memref<408x128xf32, #tpu.memory_space<vmem>>, vector<408x128xf32>,
    return
  }
}

module attributes {stable_mosaic.version = 14 : i64} {
  func.func @body(%arg0: i32, %arg1: memref<2x1264x128xf32, #tpu.memory_space<vmem>>, %arg2: memref<128x128xf32, #tpu.memory_space<vmem>>, %arg3: memref<1x128xf32, #tpu.memory_space<vmem>>, %arg4: memref<1264x128xf32, #tpu.memory_space<vmem>>) attributes {dimension_semantics = [#tpu.dimension_semantics<arbitrary>], iteration_bounds = array<i64: 8>, scalar_prefetch = 0 : i64, scratch_operands = 0 : i64, tpu.core_type = #tpu.core_type<tc>, window_params = [{transform_indices = @transform_0, window_bounds = array<i64: 2, 1264, 128>}, {pipeline_mode = #tpu.pipeline_mode<synchronous>, transform_indices = @transform_1, window_bounds = array<i64: 128, 128>}, {pipeline_mode = #tpu.pipeline_mode<synchronous>, transform_indices = @transform_2, window_bounds = array<i64: 1, 128>}, {transform_indices = @transform_3, window_bounds = array<i64: 1264, 128>}]} {
    %get3A = arith.constant 0 : index
    %get3A_0 = arith.constant 0 : index
    %get3A_1 = arith.constant 0 : index
    %get3A_2 = vector.load %arg1[%get3A, %get3A_0, %get3A_1] : memref<2x1264x128xf32, #tpu.memory_space<vmem>>, vector<1x1264x128xf32>
    %get3A_3 = vector.shape_cast %get3A_2 : vector<1x1264x128xf32> to vector<1264x128xf32>
    %get3A_4 = arith.constant 1 : index
    %get3A_5 = arith.constant 0 : index
    %get3A_6 = arith.constant 0 : index
    %get3A_7 = vector.load %arg1[%get3A_4, %get3A_5, %get3A_6] : memref<2x1264x128xf32, #tpu.memory_space<vmem>>, vector<1x1264x128xf32>
    %get3A_8 = vector.shape_cast %get3A_7 : vector<1x1264x128xf32> to vector<1264x128xf32>
    %add3A = arith.addf %get3A_3, %get3A_8 : vector<1264x128xf32>
    %get3A_9 = arith.constant 0 : index
    %get3A_10 = arith.constant 0 : index
    %get3A_11 = vector.load %arg2[%get3A_9, %get3A_10] : memref<128x128xf32, #tpu.memory_space<vmem>>, vector<128x128xf32>
    %dot_general3A = arith.constant dense<0.000000e+00> : vector<1264x128xf32>
    %dot_general3A_12 = tpu.matmul %add3A, %get3A_11, %dot_general3A {dimension_numbers = #tpu.dot_dimension_numbers<[1], [0], [0], [1], [0, 0, 1, 1], [], []>, transpose_lhs_hint = false} : vector<1264x128xf32>, vector<128x128xf32>, vector<1264x128xf32> -> vector<1264x128xf32>
    %get3A_13 = arith.constant 0 : index
    %get3A_14 = arith.constant 0 : index
    %get3A_15 = vector.load %arg3[%get3A_13, %get3A_14] : memref<1x128xf32, #tpu.memory_space<vmem>>, vector<1x128xf32>
    %add3A_16 = vector.broadcast %get3A_15 : vector<1x128xf32> to vector<1264x128xf32>
    %add3A_17 = arith.addf %dot_general3A_12, %add3A_16 : vector<1264x128xf32>
    %swap3A = arith.constant 0 : index
    %swap3A_18 = arith.constant 0 : index
    %swap3A_19 = vector.load %arg4[%swap3A, %swap3A_18] : memref<1264x128xf32, #tpu.memory_space<vmem>>, vector<1264x128xf32>
    tpu.vector_store %arg4[%swap3A, %swap3A_18], %add3A_17 {strides = array<i32>} : memref<1264x128xf32, #tpu.memory_space<vmem>>, vector<1264x128xf32>,
    return
  }
  func.func @transform_0(%arg0: i32) -> (i32, i32, i32) {
    %c0_i32 = arith.constant 0 : i32
    %c0_i32_0 = arith.constant 0 : i32
    %c0_i32_1 = arith.constant 0 : i32
    return %c0_i32, %arg0, %c0_i32_0 : i32, i32, i32
  }
  func.func @transform_1(%arg0: i32) -> (i32, i32) {
    %c0_i32 = arith.constant 0 : i32
    %c0_i32_0 = arith.constant 0 : i32
    %c0_i32_1 = arith.constant 0 : i32
    return %c0_i32, %c0_i32_0 : i32, i32
  }
  func.func @transform_2(%arg0: i32) -> (i32, i32) {
    %c0_i32 = arith.constant 0 : i32
    %c0_i32_0 = arith.constant 0 : i32
    %c0_i32_1 = arith.constant 0 : i32
    return %c0_i32, %c0_i32_0 : i32, i32
  }
  func.func @transform_3(%arg0: i32) -> (i32, i32) {
    %c0_i32 = arith.constant 0 : i32
    %c0_i32_0 = arith.constant 0 : i32
    return %arg0, %c0_i32 : i32, i32
  }
}

</mosaic_0001>

<sc_bundles>
// kernel: kernel.5.cloned.1.call-start
scs
__scs_entry_jumppad:
0x0: {  	(pc) =	sbr.rel $0x88, $3  }
0x1: {  	(tag) =	ssettag $0x0;
	lr =	simm.s32 $0x1  }
0x2: {  	[smem:$0x3F9A] =	sst lr;
	_ =	strace $0xD0000000  }
0x3: {  	_ = 	snop  }
0x4: {  	_ = 	snop  }
0x5: {  	_ = 	snop  }
0x6: {  	_ = 	snop  }
0x7: {  	_ = 	snop  }
__scs_overlays_trampoline_lowered:
0x8: {  	[smem:$0x3FA9] =	sst s0  }
0x9: {  	[smem:$0x3FAA] =	sst s1  }
0xa: {  	[smem:$0x3FAB] =	sst s2  }
0xb: {  	[smem:$0x3FAC] =	sst s3  }
0xc: {  	[smem:$0x3FAD] =	sst s4  }
0xd: {  	[smem:$0x3FAE] =	sst s5  }
0xe: {  	[smem:$0x3FAF] =	sst s6  }
0xf: {  	[smem:$0x3FB0] =	sst s7  }
0x10: {  	[smem:$0x3FB1] =	sst s8  }
0x11: {  	[smem:$0x3FB2] =	sst s9;
	s0 =	simm.s32 @!p0 $0x0  }
0x12: {  	s1 =	sld [smem:$0x3F98];
	s0 =	simm.s32 @p0 $0x1  }
0x13: {  	[smem:$0x3FB3] =	sst s0;
	s0 =	simm.s32 @!p1 $0x0  }
0x14: {  	s2 =	sld [smem:$0x3F97];
	s0 =	simm.s32 @p1 $0x1  }
0x15: {  	[smem:$0x3FB4] =	sst s0;
	s0 =	simm.s32 @!p2 $0x0  }
0x16: {  	s3 =	sld [smem:$0x3FDB];
	s0 =	simm.s32 @p2 $0x1  }
0x17: {  	s4 =	simm.s32 $0x1BF5;
	[smem:$0x3FB6] =	sst s0  }
0x18: {  	s0 =	sld [smem:$0x3F99];
	_ =	swait.ge [sflag:s4], $0x0  }
0x19: {  	s7 =	sld [smem:$0x3F9A]  }
0x1a: {  	s8 =	sadd.s32 $0xFFFFE003, lr  }
0x1b: {  	s9 =	sadd.s32 $0xFFFFFEF7, lr;
	s5 =	simm.s32 $0xFFFFFFFF;
	p2 =	slt.u32 s8, $0xFFFFF086  }
0x1c: {  	p1 =	slt.u32 s9, $0xF7A;
	s5 =	simm.s32 @!p2 $0x0  }
0x1d: {  	s5 =	simm.s32 @p1 $0x1;
	p0 =	seq.s32 s7, s2  }
0x1e: {  	s7 =	smul.u32 @!p0 $0xF7A, s2;
	p2 =	seq.s32 @!p0 s5, $0x0  }
0x1f: {  	s9 =	smul.u32 $0xF7A, s1;
	s8 =	simm.s32 @!p0 $0x1BF5;
	p2 =	por !p2, p0  }
0x20: {  	[sflag:s8] =	ssyncset.s32 @!p0 $0xFFFFF086;
	s6 =	sadd.s32 @!p0 s3, s7;
	s7 =	simm.s32 @!p0 $0x108  }
0x21: {  	s3 =	sadd.s32 s3, s9;
	s6 =	sadd.s32 @!p0 $0x88, s6;
	s7 =	simm.s32 @p2 $0x1082  }
0x22: {  	[simem:s7], [sflag:s8] =	dma.local @!p0 [hbm:s6], $0xF7A  }
0x23: {  	s9 =	sor.u32 $0xD0000000, s2;
	s6 =	simm.s32 $0x108;
	_ =	swait.ge @!p0 [sflag:s8], $0x0  }
0x24: {  	s3 =	sadd.s32 $0x88, s3;
	s6 =	simm.s32 @!p1 $0x1082;
	[sflag:s4] =	ssyncset.s32 $0xFFFFF086  }
0x25: {  	[simem:s6], [sflag:s4] =	dma.local [hbm:s3], $0xF7A  }
0x26: {  	[smem:$0x3F9A] =	sst s1;
	(tag) =	ssettag s2;
	_ =	strace s9  }
0x27: {  	s1 =	sld [smem:$0x3FAA]  }
0x28: {  	s2 =	sld [smem:$0x3FAB]  }
0x29: {  	s4 =	sld [smem:$0x3FAD]  }
0x2a: {  	p0 =	seq.s32 s5, $0x0;
	s5 =	sld [smem:$0x3FAE]  }
0x2b: {  	s6 =	sld [smem:$0x3FAF]  }
0x2c: {  	s7 =	sld [smem:$0x3FB0]  }
0x2d: {  	s3 =	simm.s32 $0x108;
	s8 =	sld [smem:$0x3FB1]  }
0x2e: {  	s3 =	simm.s32 @!p0 $0x1082;
	s9 =	sld [smem:$0x3FB2]  }
0x2f: {  	lr =	sadd.s32 s0, s3;
	s0 =	sld [smem:$0x3FA9]  }
0x30: {  	s3 =	sld [smem:$0x3FAC]  }
0x31: {  	[smem:$0x3FB5] =	sst s10  }
0x32: {  	s10 =	sld [smem:$0x3FB3];
	_ =	sdelay $0x3  }
0x33: {  	p0 =	seq.s32 s10, $0x1;
	s10 =	sld [smem:$0x3FB5];
	_ =	sdelay $0x3  }
0x34: {  	[smem:$0x3FB5] =	sst s10  }
0x35: {  	s10 =	sld [smem:$0x3FB4];
	_ =	sdelay $0x3  }
0x36: {  	p1 =	seq.s32 s10, $0x1;
	s10 =	sld [smem:$0x3FB5];
	_ =	sdelay $0x3  }
0x37: {  	[smem:$0x3FB5] =	sst s10  }
0x38: {  	s10 =	sld [smem:$0x3FB6]  }
0x39: {  	_ = 	snop;
	(pc) =	sbr.ind lr, $3  }
0x3a: {  	_ = 	snop  }
0x3b: {  	_ = 	snop  }
0x3c: {  	p2 =	seq.s32 s10, $0x1;
	s10 =	sld [smem:$0x3FB5]  }
0x3d: {  	_ =	shalt  }
0x3e: {  	_ =	shalt  }
0x3f: {  	_ =	shalt  }
0x40: {  	_ =	shalt  }
0x41: {  	_ =	shalt  }
0x42: {  	_ =	shalt  }
0x43: {  	_ =	shalt  }
0x44: {  	_ =	shalt  }
0x45: {  	_ =	shalt  }
0x46: {  	_ =	shalt  }
0x47: {  	_ =	shalt  }
0x48: {  	_ =	shalt  }
0x49: {  	_ =	shalt  }
0x4a: {  	_ =	shalt  }
0x4b: {  	_ =	shalt  }
0x4c: {  	_ =	shalt  }
0x4d: {  	_ =	shalt  }
0x4e: {  	_ =	shalt  }
0x4f: {  	_ =	shalt  }
0x50: {  	_ =	shalt  }
0x51: {  	_ =	shalt  }
0x52: {  	_ =	shalt  }
0x53: {  	_ =	shalt  }
0x54: {  	_ =	shalt  }
0x55: {  	_ =	shalt  }
0x56: {  	_ =	shalt  }
0x57: {  	_ =	shalt  }
0x58: {  	_ =	shalt  }
0x59: {  	_ =	shalt  }
0x5a: {  	_ =	shalt  }
0x5b: {  	_ =	shalt  }
0x5c: {  	_ =	shalt  }
0x5d: {  	_ =	shalt  }
0x5e: {  	_ =	shalt  }
0x5f: {  	_ =	shalt  }
0x60: {  	_ =	shalt  }
0x61: {  	_ =	shalt  }
0x62: {  	_ =	shalt  }
0x63: {  	_ =	shalt  }
0x64: {  	_ =	shalt  }
0x65: {  	_ =	shalt  }
0x66: {  	_ =	shalt  }
0x67: {  	_ =	shalt  }
0x68: {  	_ =	shalt  }
0x69: {  	_ =	shalt  }
0x6a: {  	_ =	shalt  }
0x6b: {  	_ =	shalt  }
0x6c: {  	_ =	shalt  }
0x6d: {  	_ =	shalt  }
0x6e: {  	_ =	shalt  }
0x6f: {  	_ =	shalt  }
0x70: {  	_ =	shalt  }
0x71: {  	_ =	shalt  }
0x72: {  	_ =	shalt  }
0x73: {  	_ =	shalt  }
0x74: {  	_ =	shalt  }
0x75: {  	_ =	shalt  }
0x76: {  	_ =	shalt  }
0x77: {  	_ =	shalt  }
0x78: {  	_ =	shalt  }
0x79: {  	_ =	shalt  }
0x7a: {  	_ =	shalt  }
0x7b: {  	_ =	shalt  }
0x7c: {  	_ =	shalt  }
0x7d: {  	_ =	shalt  }
0x7e: {  	_ =	shalt  }
0x7f: {  	_ =	shalt  }
0x80: {  	_ =	shalt  }
0x81: {  	_ =	shalt  }
0x82: {  	_ =	shalt  }
0x83: {  	_ =	shalt  }
0x84: {  	_ =	shalt  }
0x85: {  	_ =	shalt  }
0x86: {  	_ =	shalt  }
0x87: {  	_ =	shalt  }
.Lfunc_end0:
.L_simem_size_0:
called_computation_lowered:
.L_overlay_start_0:
0x88: {  	s2 =	sld [smem:$0x3FD9]  }
0x89: {  	s3 =	sld [smem:$0x3FFE];
	_ =	sdelay $0x1  }
0x8a: {  	s1 =	srdreg.scid  }
0x8b: {  	s0 =	sand.u32 $0x1, s1  }
0x8c: {  	s14 =	sshll.u32 s0, $0xA;
	s2 =	sadd.s32 s3, s2  }
0x8d: {  	s2 =	sadd.s32 s2, s14  }
0x8e: {  	[smem:$0x3FC1] =	sst s2  }
0x8f: {  	_ = 	snop  }
0x90: {  	s2 =	sld [smem:$0x3FD0];
	_ =	sdelay $0x2  }
0x91: {  	s15 =	simm.s32 $0xA;
	s4 =	simm.s32 $0x10  }
0x92: {  	[smem:s4], [sflag:s15] =	dma.local [hbm:s2], $0x1  }
0x93: {  	_ =	swait.eq [sflag:s15], $0x1  }
0x94: {  	[sflag:s15] =	ssyncset.done $0x0  }
0x95: {  	[sflag:s15] =	ssyncadd.s32 $0xFFFFFFFF  }
0x96: {  	s16 =	sld [smem:$0x10];
	(tm) =	ssettm $0x1  }
0x97: {  	s17 =	sld [smem:$0x3FFB];
	_ =	sdelay $0x3  }
0x98: {  	_ =	strace s17  }
0x99: {  	s3 =	sld [smem:$0x3FFC];
	_ =	sdelay $0x3  }
0x9a: {  	_ =	strace s3  }
0x9b: {  	s3 =	sld [smem:$0x3FFD];
	_ =	sdelay $0x3  }
0x9c: {  	_ =	strace s3  }
0x9d: {  	_ =	strace $0x8FFFFFFF  }
0x9e: {  	s18 =	sld [smem:$0x3FDB];
	_ =	sdelay $0x1  }
0x9f: {  	s19 =	simm.s32 $_scs_section_size  }
0xa0: {  	s5 =	simm.s32 $_size__tile_overlayer_lowered;
	s6 =	simm.s32 $_tile_overlayer_lowered  }
0xa1: {  	s22 =	simm.s32 $0x1BFF;
	s21 =	sshll.u32 s6, $0x1;
	s3 =	sadd.s32 s19, s18  }
0xa2: {  	s7 =	simm.s32 $0x0;
	s20 =	sshll.u32 s5, $0x1;
	s5 =	sadd.s32 s21, s3  }
0xa3: {  	[timem:s7], [sflag:s22] =	dma.local [hbm:s5], s20  }
0xa4: {  	_ =	swait.ge [sflag:s22], s20  }
0xa5: {  	s4 =	ssub.s32 $0x0, s20;
	[sflag:s22] =	ssyncset.done $0x0  }
0xa6: {  	[sflag:s22] =	ssyncadd.s32 s4;
	_ =	sdelay $0x1  }
0xa7: {  	s23 =	simm.s32 $0x1B8B  }
0xa8: {  	_ =	swait.ge [sflag:s23], $0x1  }
0xa9: {  	[sflag:s23] =	ssyncset.done $0x0  }
0xaa: {  	s25 =	simm.s32 $0x1B8E;
	s24 =	sld [smem:$0x3FFE];
	[sflag:s23] =	ssyncadd.s32 $0xFFFFFFFF  }
0xab: {  	s26 =	simm.s32 $execute0_lowered;
	[smem:$0x3FD2] =	sst s25  }
0xac: {  	s5 =	sshll.u32 s26, $0x1;
	_ =	strace $0x80000046;
	[dreg:$0x1] =	wrdreg $0xFFFFFFFF  }
0xad: {  	s28 =	simm.s32 $_size_execute0_lowered;
	s3 =	sadd.s32 s3, s5;
	[dreg:$0x0] =	wrdreg $0x0  }
0xae: {  	s5 =	sshll.u32 s28, $0x1;
	[dreg:$0x2] =	wrdreg s3  }
0xaf: {  	[dreg:$0x3] =	wrdreg s5  }
0xb0: {  	[dreg:$0x4] =	wrdreg $0xC0  }
0xb1: {  	_ =	task [dreg:s7], $0x5FFFF  }
0xb2: {  	[dreg:$0x1] =	wrdreg $0xFFFFFFFF  }
0xb3: {  	[dreg:$0x0] =	wrdreg $0x60  }
0xb4: {  	[dreg:$0x2] =	wrdreg s24  }
0xb5: {  	[dreg:$0x3] =	wrdreg s16  }
0xb6: {  	[dreg:$0x4] =	wrdreg $0xBE000  }
0xb7: {  	[dreg:$0x5] =	wrdreg $0x9  }
0xb8: {  	_ =	task.clear_ibuf [dreg:s7], $0x6FFFF;
	_ =	strace $0x90000046  }
0xb9: {  	s29 =	simm.s32 $0x9;
	_ =	strace $0x80000048  }
0xba: {  	_ =	swait.ge [sflag:s29], $0x1  }
0xbb: {  	[sflag:s29] =	ssyncadd.s32 $0xFFFFFFFF  }
0xbc: {  	_ =	strace $0x90000048  }
0xbd: {  	_ =	sfence  }
0xbe: {  	s30 =	sld [smem:$0x0];
	_ =	sdelay $0x2  }
0xbf: {  	s31 =	sshll.u32 s1, $0xD;
	s1 =	sshrl.u32 s1, $0x2  }
0xc0: {  	s3 =	sand.u32 $0x4000, s31;
	s1 =	sadd.s32 s1, s30  }
0xc1: {  	s0 =	sor.u32 s3, s0;
	s1 =	sshll.u32 s1, $0x11  }
0xc2: {  	s0 =	sor.u32 s1, s0  }
0xc3: {  	s0 =	sadd.s32 $0x8F2B, s0  }
0xc4: {  	[sflag:s0] =	ssyncadd.remote.s32 $0x1  }
0xc5: {  	_ =	sfence.sel $0xFFFF  }
0xc6: {  	[dreg:$0x0] =	wrdreg $0xFFFFFFFF;
	(pc) =	sbr.abs _section_cstart, $3  }
0xc7: {  	[dreg:$0x1] =	wrdreg $0xFFFFFFFF  }
0xc8: {  	_ =	task.clear_ibuf [dreg:s7], $0x2FFFF;
	_ =	strace $0x9FFFFFFF  }
0xc9: {  	(tm) =	ssettm $0x7FFFFFFF  }
tec
execute0_lowered:
.L_overlay_start_1:
0x0: {  	(tag) =	ssettag $0x1  }
0x1: {  	s0 =	rddreg [dreg:$0x0]  }
0x2: {  	s2 =	rddreg [dreg:$0x1]  }
0x3: {  	s3 =	rddreg [dreg:$0x2];
	s1 =	srdreg.scid  }
0x4: {  	s8 =	stileid.u32;
	s9 =	simm.s32 $0x0;
	s14 =	simm.s32 $0xB  }
0x5: {  	s16 =	simm.s32 $0x40;
	s17 =	simm.s32 $0x1E00;
	s28 =	simm.s32 $0x7E00  }
0x6: {  	s29 =	simm.s32 $0x3;
	s30 =	simm.s32 $0x8E00;
	s31 =	simm.s32 $0x6  }
0x7: {  	s11 =	simm.s32 $0x5;
	s12 =	simm.s32 $0xAE00;
	s1 =	sand.u32 $0x1, s1  }
0x8: {  	s4 =	smul.u32 $0x13C00, s8;
	[smem:$0x7FF] =	sst s9;
	s6 =	sadd.s32 $0xAC00, s0  }
0x9: {  	s20 =	sadd.s32 $0xC00, s0;
	_ =	strace $0x80000047;
	[dreg:$0x5] =	wrdreg s6  }
0xa: {  	s21 =	sadd.s32 $0x1EC00, s0;
	s24 =	sshll.u32 s8, $0x6;
	[dreg:$0x6] =	wrdreg s20  }
0xb: {  	s5 =	smul.u32 $0x13C000, s1;
	[dreg:$0x7] =	wrdreg s21;
	s22 =	ssub.s32 $0x2, s1  }
0xc: {  	s1 =	sshll.u32 s1, $0x4;
	s6 =	sor.u32 $0x1C0B, s24;
	s21 =	simm.s32 $0x4E00  }
0xd: {  	s24 =	simm.s32 $0x6E00;
	s7 =	sshrl.u32 s22, $0x1;
	s1 =	sor.u32 s8, s1  }
0xe: {  	[dreg:$0x9] =	wrdreg s6;
	s5 =	sadd.s32 s4, s5;
	s25 =	smul.u32 $0x5000, s1  }
0xf: {  	s23 =	ssub.s32 s22, s7;
	s4 =	sadd.s32 s4, s3;
	s1 =	smul.u32 $0x2800, s1  }
0x10: {  	s22 =	simm.s32 $0x1;
	s7 =	simm.s32 $0x7;
	s5 =	sshrl.u32 s5, $0x3  }
0x11: {  	s26 =	smax.u32 s23, $0x1;
	s8 =	sshrl.u32 s4, $0x3;
	[dreg:$0x8] =	wrdreg s25  }
0x12: {  	s23 =	simm.s32 $0x20;
	s4 =	simm.s32 $0xA;
	[dreg:$0xa] =	wrdreg s1  }
0x13: {  	s0 =	sadd.s32 s5, s0;
	[dreg:$0xc] =	wrdreg s26;
	s25 =	simm.s32 $0x5E00  }
0x14: {  	s26 =	simm.s32 $0x2;
	[dreg:$0xd] =	wrdreg s8;
	s0 =	sadd.s32 $0x21400, s0  }
0x15: {  	s1 =	simm.s32 $0x9E00;
	[dreg:$0xb] =	wrdreg s0;
	s0 =	simm.s32 $0x4  }
.LBB2_1:
0x16: {  	[dreg:$0x4] =	wrdreg s9  }
0x17: {  	s5 =	rddreg [dreg:$0x7]  }
0x18: {  	[spmem:s8], [sflag:s6] =	dma.local [hbm:s5], $0x2780  }
0x19: {  	_ =	swait.ge [sflag:s14], $0x2780  }
0x1a: {  	[sflag:s14] =	ssyncset.done $0x0  }
0x1b: {  	[sflag:s14] =	ssyncadd.s32 $0xFFFFD880  }
0x1c: {  	s15 =	simm.s32 $0x0;
	[bflag:$0x0] =	sbarrier.arrive $0xFFFF  }
.LBB2_2:
0x1d: {  	s5 =	smul.u32 $0x1400, s15  }
0x1e: {  	s6 =	rddreg [dreg:$0x8]  }
0x1f: {  	s5 =	sadd.s32 s6, s5  }
0x20: {  	s18 =	rddreg [dreg:$0x5];
	s5 =	sshrl.u32 s5, $0x3  }
0x21: {  	s20 =	simm.s32 $0x0;
	s5 =	sadd.s32 s18, s5  }
0x22: {  	[tilespmem:s20], [sflag:$0xB] =	stream.linear.gather [hbm4b:s5+s20], $0x1400, $0x38;
	[tilespmem:$0x1FA00] =	vst v63  }
0x23: {  	s19 =	smul.u32 $0xA00, s15;
	_ =	swait.ge [sflag:s14], $0x1400  }
0x24: {  	s8 =	rddreg [dreg:$0xa]  }
0x25: {  	s5 =	sadd.s32 s8, s19  }
0x26: {  	[sflag:s14] =	ssyncset.done $0x0;
	s9 =	rddreg [dreg:$0x6];
	s5 =	sshrl.u32 s5, $0x3  }
0x27: {  	s10 =	simm.s32 $0x1400;
	[sflag:s14] =	ssyncadd.s32 $0xFFFFEC00;
	s5 =	sadd.s32 s9, s5  }
0x28: {  	[tilespmem:s10], [sflag:$0xB] =	stream.linear.gather [hbm4b:s5+s20], $0xA00, $0x38;
	[tilespmem:$0x1FA00] =	vst v63  }
0x29: {  	_ =	swait.ge [sflag:s14], $0xA00  }
0x2a: {  	[sflag:s14] =	ssyncset.done $0x0  }
0x2b: {  	[sflag:s14] =	ssyncadd.s32 $0xFFFFF600  }
0x2c: {  	[tilespmem:s17], [sflag:$0x1] =	stream.indirect.gather [hbm4b:s2+s16], $0x40, s20, s16, $0xb8;
	[tilespmem:$0x1FA00] =	vst v63  }
0x2d: {  	s13 =	simm.s32 $0x2E00  }
0x2e: {  	[tilespmem:s13], [sflag:$0x2] =	stream.indirect.gather [hbm4b:s2+s16], $0x40, s16, s16, $0xb8;
	[tilespmem:$0x1FA00] =	vst v63  }
0x2f: {  	s18 =	simm.s32 $0x80;
	s19 =	simm.s32 $0x3E00  }
0x30: {  	[tilespmem:s19], [sflag:$0x3] =	stream.indirect.gather [hbm4b:s2+s16], $0x40, s18, s16, $0xb8;
	[tilespmem:$0x1FA00] =	vst v63  }
.LBB2_3:
0x31: {  	s5 =	smul.u32 $0x5, s20;
	p0 =	seq.s32 s20, $0x0  }
0x32: {  	s6 =	simm.s32 @!p0 $0x8  }
0x33: {  	_ =	swait.ge @!p0 [sflag:s6], $0x1000;
	s18 =	sadd.s32 $0x3, s5  }
0x34: {  	[sflag:s6] =	ssyncset.done @!p0 $0x0;
	s8 =	sshll.u32 s18, $0x6  }
0x35: {  	[sflag:s6] =	ssyncadd.s32 @!p0 $0xFFFFF000;
	s13 =	sand.u32 $0x3FFFFFC0, s8  }
0x36: {  	[tilespmem:s21], [sflag:$0x4] =	stream.indirect.gather [hbm4b:s2+s16], $0x40, s13, s16, $0xb8;
	[tilespmem:$0x1FA00] =	vst v63  }
0x37: {  	_ =	swait.ge [sflag:s22], $0x1000  }
0x38: {  	[sflag:s22] =	ssyncset.done $0x0  }
0x39: {  	s19 =	simm.s32 $0xFFFFF800;
	[sflag:s22] =	ssyncadd.s32 $0xFFFFF000  }
0x3a: {  	v0 =	vld [tilespmem:s19+$0x2600]  }
0x3b: {  	v1 =	vld [tilespmem:s19+$0x2E00];
	_ =	sdelay $0x4  }
0x3c: {  	v2 =	vshll.u32 v0, $0x10;
	v3 =	vshll.u32 v1, $0x10  }
0x3d: {  	v0 =	vand.u32 $0xFFFF0000, v0;
	v1 =	vand.u32 $0xFFFF0000, v1;
	v2 =	vmul.f32 v3, v2  }
0x3e: {  	s6 =	simm.s32 $0x6E40;
	v0 =	vmul.f32 v1, v0  }
0x3f: {  	[tilespmem:s6+$0xFFFFFFC0] =	vst v2  }
0x40: {  	[tilespmem:s6+$0xFFFFFFD0] =	vst v0  }
0x41: {  	v0 =	vld [tilespmem:s19+$0x2610]  }
0x42: {  	v1 =	vld [tilespmem:s19+$0x2E10];
	_ =	sdelay $0x4  }
0x43: {  	v2 =	vshll.u32 v0, $0x10;
	v3 =	vshll.u32 v1, $0x10  }
0x44: {  	v0 =	vand.u32 $0xFFFF0000, v0;
	v1 =	vand.u32 $0xFFFF0000, v1;
	v2 =	vmul.f32 v3, v2  }
0x45: {  	v0 =	vmul.f32 v1, v0  }
0x46: {  	[tilespmem:s6+$0xFFFFFFE0] =	vst v2  }
0x47: {  	[tilespmem:s6+$0xFFFFFFF0] =	vst v0  }
0x48: {  	v0 =	vld [tilespmem:s19+$0x2620]  }
0x49: {  	v1 =	vld [tilespmem:s19+$0x2E20];
	_ =	sdelay $0x4  }
0x4a: {  	v2 =	vshll.u32 v0, $0x10;
	v3 =	vshll.u32 v1, $0x10  }
0x4b: {  	v0 =	vand.u32 $0xFFFF0000, v0;
	v1 =	vand.u32 $0xFFFF0000, v1;
	v2 =	vmul.f32 v3, v2  }
0x4c: {  	v0 =	vmul.f32 v1, v0  }
0x4d: {  	[tilespmem:s6+$0x0] =	vst v2  }
0x4e: {  	[tilespmem:s6+$0x10] =	vst v0  }
0x4f: {  	v0 =	vld [tilespmem:s19+$0x2630]  }
0x50: {  	s10 =	simm.s32 $0xFFFFE100;
	s8 =	simm.s32 $0x6E40;
	v1 =	vld [tilespmem:s19+$0x2E30]  }
.LBB2_4:
0x51: {  	p1 =	sne.s32 s10, $0xFFFFFF00  }
0x52: {  	s6 =	sadd.s32 $0x80, s6;
	s9 =	smov.u32 s10;
	s10 =	sadd.s32 $0x100, s10  }
0x53: {  	_ =	sdelay $0x1  }
0x54: {  	v2 =	vshll.u32 v0, $0x10;
	v0 =	vand.u32 $0xFFFF0000, v0  }
0x55: {  	v3 =	vshll.u32 v1, $0x10;
	v1 =	vand.u32 $0xFFFF0000, v1  }
0x56: {  	v2 =	vmul.f32 v3, v2;
	v0 =	vmul.f32 v1, v0;
	_ =	sdelay $0x1  }
0x57: {  	[tilespmem:s8+$0x20] =	vst v2  }
0x58: {  	s9 =	sshra.s32 s9, $0x2;
	[tilespmem:s8+$0x30] =	vst v0;
	s8 =	smov.u32 s6  }
0x59: {  	v0 =	vld [tilespmem:s9+$0x2600]  }
0x5a: {  	v1 =	vld [tilespmem:s9+$0x2E00];
	_ =	sdelay $0x3  }
0x5b: {  	v2 =	vshll.u32 v0, $0x10;
	v0 =	vand.u32 $0xFFFF0000, v0  }
0x5c: {  	v3 =	vshll.u32 v1, $0x10;
	v1 =	vand.u32 $0xFFFF0000, v1  }
0x5d: {  	v2 =	vmul.f32 v3, v2;
	v0 =	vmul.f32 v1, v0;
	_ =	sdelay $0x1  }
0x5e: {  	[tilespmem:s6+$0xFFFFFFC0] =	vst v2  }
0x5f: {  	[tilespmem:s6+$0xFFFFFFD0] =	vst v0  }
0x60: {  	v0 =	vld [tilespmem:s9+$0x2610]  }
0x61: {  	v1 =	vld [tilespmem:s9+$0x2E10];
	_ =	sdelay $0x3  }
0x62: {  	v2 =	vshll.u32 v0, $0x10;
	v0 =	vand.u32 $0xFFFF0000, v0  }
0x63: {  	v3 =	vshll.u32 v1, $0x10;
	v1 =	vand.u32 $0xFFFF0000, v1  }
0x64: {  	v2 =	vmul.f32 v3, v2;
	v0 =	vmul.f32 v1, v0;
	_ =	sdelay $0x1  }
0x65: {  	[tilespmem:s6+$0xFFFFFFE0] =	vst v2  }
0x66: {  	[tilespmem:s6+$0xFFFFFFF0] =	vst v0  }
0x67: {  	v0 =	vld [tilespmem:s9+$0x2620]  }
0x68: {  	v1 =	vld [tilespmem:s9+$0x2E20];
	_ =	sdelay $0x3  }
0x69: {  	v2 =	vshll.u32 v0, $0x10;
	v0 =	vand.u32 $0xFFFF0000, v0  }
0x6a: {  	v3 =	vshll.u32 v1, $0x10;
	v1 =	vand.u32 $0xFFFF0000, v1  }
0x6b: {  	v2 =	vmul.f32 v3, v2;
	v0 =	vmul.f32 v1, v0  }
.Ltmp0:
0x6c: {  	(pc) =	sbr.rel @p1 .LBB2_4-.Ltmp0, $4  }
0x6d: {  	[tilespmem:s6+$0x0] =	vst v2  }
0x6e: {  	[tilespmem:s6+$0x10] =	vst v0  }
0x6f: {  	v0 =	vld [tilespmem:s9+$0x2630]  }
0x70: {  	v1 =	vld [tilespmem:s9+$0x2E30]  }
0x71: {  	_ =	sdelay $0x3  }
0x72: {  	v2 =	vshll.u32 v0, $0x10;
	v3 =	vshll.u32 v1, $0x10  }
0x73: {  	s6 =	smul.u32 $0x280, s20;
	v0 =	vand.u32 $0xFFFF0000, v0;
	v1 =	vand.u32 $0xFFFF0000, v1;
	v2 =	vmul.f32 v3, v2  }
0x74: {  	v0 =	vmul.f32 v1, v0  }
0x75: {  	s6 =	sshra.s32 s6, $0x2;
	[tilespmem:s8+$0x20] =	vst v2  }
0x76: {  	s10 =	sadd.s32 $0x1400, s6;
	[tilespmem:s8+$0x30] =	vst v0;
	s8 =	simm.s32 @!p0 $0x9  }
0x77: {  	[spmem:s3] =	stream.indirect.scatter.add.f32 [tilespmem:s24], [sflag:$0x6], $0x80, s10, s23, $0xb8;
	[tilespmem:$0x1FA00] =	vst v63  }
0x78: {  	s19 =	sadd.s32 $0x4, s5;
	_ =	swait.ge @!p0 [sflag:s8], $0x1000  }
0x79: {  	s5 =	sshll.u32 s19, $0x6;
	[sflag:s8] =	ssyncset.done @!p0 $0x0  }
0x7a: {  	s5 =	sand.u32 $0x3FFFFFC0, s5;
	[sflag:s8] =	ssyncadd.s32 @!p0 $0xFFFFF000  }
0x7b: {  	[tilespmem:s25], [sflag:$0x5] =	stream.indirect.gather [hbm4b:s2+s16], $0x40, s5, s16, $0xb8;
	[tilespmem:$0x1FA00] =	vst v63  }
0x7c: {  	_ =	swait.ge [sflag:s26], $0x1000  }
0x7d: {  	[sflag:s26] =	ssyncset.done $0x0  }
0x7e: {  	s13 =	simm.s32 $0xFFFFF800;
	[sflag:s26] =	ssyncadd.s32 $0xFFFFF000  }
0x7f: {  	v0 =	vld [tilespmem:s13+$0x3600]  }
0x80: {  	v1 =	vld [tilespmem:s13+$0x3E00];
	_ =	sdelay $0x4  }
0x81: {  	v2 =	vshll.u32 v0, $0x10;
	v3 =	vshll.u32 v1, $0x10  }
0x82: {  	v0 =	vand.u32 $0xFFFF0000, v0;
	v1 =	vand.u32 $0xFFFF0000, v1;
	v2 =	vmul.f32 v3, v2  }
0x83: {  	s5 =	simm.s32 $0x7E40;
	v0 =	vmul.f32 v1, v0  }
0x84: {  	[tilespmem:s5+$0xFFFFFFC0] =	vst v2  }
0x85: {  	[tilespmem:s5+$0xFFFFFFD0] =	vst v0  }
0x86: {  	v0 =	vld [tilespmem:s13+$0x3610]  }
0x87: {  	v1 =	vld [tilespmem:s13+$0x3E10];
	_ =	sdelay $0x4  }
0x88: {  	v2 =	vshll.u32 v0, $0x10;
	v3 =	vshll.u32 v1, $0x10  }
0x89: {  	v0 =	vand.u32 $0xFFFF0000, v0;
	v1 =	vand.u32 $0xFFFF0000, v1;
	v2 =	vmul.f32 v3, v2  }
0x8a: {  	v0 =	vmul.f32 v1, v0  }
0x8b: {  	[tilespmem:s5+$0xFFFFFFE0] =	vst v2  }
0x8c: {  	[tilespmem:s5+$0xFFFFFFF0] =	vst v0  }
0x8d: {  	v0 =	vld [tilespmem:s13+$0x3620]  }
0x8e: {  	v1 =	vld [tilespmem:s13+$0x3E20];
	_ =	sdelay $0x4  }
0x8f: {  	v2 =	vshll.u32 v0, $0x10;
	v3 =	vshll.u32 v1, $0x10  }
0x90: {  	v0 =	vand.u32 $0xFFFF0000, v0;
	v1 =	vand.u32 $0xFFFF0000, v1;
	v2 =	vmul.f32 v3, v2  }
0x91: {  	v0 =	vmul.f32 v1, v0  }
0x92: {  	[tilespmem:s5+$0x0] =	vst v2  }
0x93: {  	[tilespmem:s5+$0x10] =	vst v0  }
0x94: {  	v0 =	vld [tilespmem:s13+$0x3630]  }
0x95: {  	s10 =	simm.s32 $0xFFFFE100;
	s8 =	simm.s32 $0x7E40;
	v1 =	vld [tilespmem:s13+$0x3E30]  }
.LBB2_6:
0x96: {  	p1 =	sne.s32 s10, $0xFFFFFF00  }
0x97: {  	s5 =	sadd.s32 $0x80, s5;
	s9 =	smov.u32 s10;
	s10 =	sadd.s32 $0x100, s10  }
0x98: {  	_ =	sdelay $0x1  }
0x99: {  	v2 =	vshll.u32 v0, $0x10;
	v0 =	vand.u32 $0xFFFF0000, v0  }
0x9a: {  	v3 =	vshll.u32 v1, $0x10;
	v1 =	vand.u32 $0xFFFF0000, v1  }
0x9b: {  	v2 =	vmul.f32 v3, v2;
	v0 =	vmul.f32 v1, v0;
	_ =	sdelay $0x1  }
0x9c: {  	[tilespmem:s8+$0x20] =	vst v2  }
0x9d: {  	s9 =	sshra.s32 s9, $0x2;
	[tilespmem:s8+$0x30] =	vst v0;
	s8 =	smov.u32 s5  }
0x9e: {  	v0 =	vld [tilespmem:s9+$0x3600]  }
0x9f: {  	v1 =	vld [tilespmem:s9+$0x3E00];
	_ =	sdelay $0x3  }
0xa0: {  	v2 =	vshll.u32 v0, $0x10;
	v0 =	vand.u32 $0xFFFF0000, v0  }
0xa1: {  	v3 =	vshll.u32 v1, $0x10;
	v1 =	vand.u32 $0xFFFF0000, v1  }
0xa2: {  	v2 =	vmul.f32 v3, v2;
	v0 =	vmul.f32 v1, v0;
	_ =	sdelay $0x1  }
0xa3: {  	[tilespmem:s5+$0xFFFFFFC0] =	vst v2  }
0xa4: {  	[tilespmem:s5+$0xFFFFFFD0] =	vst v0  }
0xa5: {  	v0 =	vld [tilespmem:s9+$0x3610]  }
0xa6: {  	v1 =	vld [tilespmem:s9+$0x3E10];
	_ =	sdelay $0x3  }
0xa7: {  	v2 =	vshll.u32 v0, $0x10;
	v0 =	vand.u32 $0xFFFF0000, v0  }
0xa8: {  	v3 =	vshll.u32 v1, $0x10;
	v1 =	vand.u32 $0xFFFF0000, v1  }
0xa9: {  	v2 =	vmul.f32 v3, v2;
	v0 =	vmul.f32 v1, v0;
	_ =	sdelay $0x1  }
0xaa: {  	[tilespmem:s5+$0xFFFFFFE0] =	vst v2  }
0xab: {  	[tilespmem:s5+$0xFFFFFFF0] =	vst v0  }
0xac: {  	v0 =	vld [tilespmem:s9+$0x3620]  }
0xad: {  	v1 =	vld [tilespmem:s9+$0x3E20];
	_ =	sdelay $0x3  }
0xae: {  	v2 =	vshll.u32 v0, $0x10;
	v0 =	vand.u32 $0xFFFF0000, v0  }
0xaf: {  	v3 =	vshll.u32 v1, $0x10;
	v1 =	vand.u32 $0xFFFF0000, v1  }
0xb0: {  	v2 =	vmul.f32 v3, v2;
	v0 =	vmul.f32 v1, v0  }
.Ltmp1:
0xb1: {  	(pc) =	sbr.rel @p1 .LBB2_6-.Ltmp1, $4  }
0xb2: {  	[tilespmem:s5+$0x0] =	vst v2  }
0xb3: {  	[tilespmem:s5+$0x10] =	vst v0  }
0xb4: {  	v0 =	vld [tilespmem:s9+$0x3630]  }
0xb5: {  	v1 =	vld [tilespmem:s9+$0x3E30]  }
0xb6: {  	_ =	sdelay $0x3  }
0xb7: {  	v2 =	vshll.u32 v0, $0x10;
	v3 =	vshll.u32 v1, $0x10  }
0xb8: {  	v62 =	vand.u32 $0xFFFF0000, v0;
	v63 =	vand.u32 $0xFFFF0000, v1;
	v2 =	vmul.f32 v3, v2  }
0xb9: {  	v0 =	vmul.f32 v63, v62  }
0xba: {  	p1 =	seq.s32 @!p0 s20, $0xF;
	[tilespmem:s8+$0x20] =	vst v2  }
0xbb: {  	s5 =	sadd.s32 $0x1420, s6;
	p1 =	por p0, !p1;
	[tilespmem:s8+$0x30] =	vst v0  }
0xbc: {  	[spmem:s3] =	stream.indirect.scatter.add.f32 [tilespmem:s28], [sflag:$0x7], $0x80, s5, s23, $0xb8;
	[tilespmem:$0x1FA00] =	vst v63  }
.Ltmp2:
0xbd: {  	_ = 	snop;
	(pc) =	sbr.rel @p1 .LBB2_9-.Ltmp2, $4  }
0xbe: {  	s5 =	simm.s32 @!p0 $0xA  }
0xbf: {  	_ =	swait.ge @!p0 [sflag:s5], $0x1000  }
0xc0: {  	[sflag:s5] =	ssyncset.done @!p0 $0x0  }
0xc1: {  	[sflag:s5] =	ssyncadd.s32 @!p0 $0xFFFFF000  }
.Ltmp3:
0xc2: {  	(pc) =	sbr.rel .LBB2_10-.Ltmp3, $2  }
0xc3: {  	_ =	sdelay $0x2  }
0xc4: {  	s5 =	simm.s32 @!p0 $0x10;
	p0 =	por @!p0 $0x1, $0x1  }
.LBB2_9:
0xc5: {  	s5 =	smul.u32 $0x500, s20;
	_ =	sdelay $0x1  }
0xc6: {  	s5 =	sshra.s32 s5, $0x2  }
0xc7: {  	s5 =	sadd.s32 $0x140, s5  }
0xc8: {  	[tilespmem:s17], [sflag:$0x1] =	stream.indirect.gather [hbm4b:s2+s16], $0x40, s5, s16, $0xb8;
	[tilespmem:$0x1FA00] =	vst v63  }
0xc9: {  	s5 =	sadd.s32 @!p0 $0x1, s20  }
0xca: {  	s5 =	simm.s32 @p0 $0x1;
	p0 =	por $0x0, $0x0  }
.LBB2_10:
0xcb: {  	_ =	swait.ge [sflag:s29], $0x1000  }
0xcc: {  	[sflag:s29] =	ssyncset.done $0x0  }
0xcd: {  	s10 =	simm.s32 $0xFFFFF800;
	[sflag:s29] =	ssyncadd.s32 $0xFFFFF000  }
0xce: {  	v0 =	vld [tilespmem:s10+$0x4600]  }
0xcf: {  	v1 =	vld [tilespmem:s10+$0x4E00];
	_ =	sdelay $0x4  }
0xd0: {  	v2 =	vshll.u32 v0, $0x10;
	v3 =	vshll.u32 v1, $0x10  }
0xd1: {  	v0 =	vand.u32 $0xFFFF0000, v0;
	v1 =	vand.u32 $0xFFFF0000, v1;
	v2 =	vmul.f32 v3, v2  }
0xd2: {  	s8 =	simm.s32 $0x8E40;
	v0 =	vmul.f32 v1, v0  }
0xd3: {  	[tilespmem:s8+$0xFFFFFFC0] =	vst v2  }
0xd4: {  	[tilespmem:s8+$0xFFFFFFD0] =	vst v0  }
0xd5: {  	v0 =	vld [tilespmem:s10+$0x4610]  }
0xd6: {  	v1 =	vld [tilespmem:s10+$0x4E10];
	_ =	sdelay $0x4  }
0xd7: {  	v2 =	vshll.u32 v0, $0x10;
	v3 =	vshll.u32 v1, $0x10  }
0xd8: {  	v0 =	vand.u32 $0xFFFF0000, v0;
	v1 =	vand.u32 $0xFFFF0000, v1;
	v2 =	vmul.f32 v3, v2  }
0xd9: {  	v0 =	vmul.f32 v1, v0  }
0xda: {  	[tilespmem:s8+$0xFFFFFFE0] =	vst v2  }
0xdb: {  	[tilespmem:s8+$0xFFFFFFF0] =	vst v0  }
0xdc: {  	v0 =	vld [tilespmem:s10+$0x4620]  }
0xdd: {  	v1 =	vld [tilespmem:s10+$0x4E20];
	_ =	sdelay $0x4  }
0xde: {  	v2 =	vshll.u32 v0, $0x10;
	v3 =	vshll.u32 v1, $0x10  }
0xdf: {  	v0 =	vand.u32 $0xFFFF0000, v0;
	v1 =	vand.u32 $0xFFFF0000, v1;
	v2 =	vmul.f32 v3, v2  }
0xe0: {  	v0 =	vmul.f32 v1, v0  }
0xe1: {  	[tilespmem:s8+$0x0] =	vst v2  }
0xe2: {  	[tilespmem:s8+$0x10] =	vst v0  }
0xe3: {  	v0 =	vld [tilespmem:s10+$0x4630]  }
0xe4: {  	s9 =	simm.s32 $0xFFFFE100;
	v1 =	vld [tilespmem:s10+$0x4E30];
	s10 =	simm.s32 $0x8E40  }
.LBB2_11:
0xe5: {  	p1 =	sne.s32 s9, $0xFFFFFF00  }
0xe6: {  	s8 =	sadd.s32 $0x80, s8;
	s13 =	smov.u32 s9;
	s9 =	sadd.s32 $0x100, s9  }
0xe7: {  	_ =	sdelay $0x1  }
0xe8: {  	v2 =	vshll.u32 v0, $0x10;
	v0 =	vand.u32 $0xFFFF0000, v0  }
0xe9: {  	v3 =	vshll.u32 v1, $0x10;
	v1 =	vand.u32 $0xFFFF0000, v1  }
0xea: {  	v2 =	vmul.f32 v3, v2;
	v0 =	vmul.f32 v1, v0;
	_ =	sdelay $0x1  }
0xeb: {  	[tilespmem:s10+$0x20] =	vst v2  }
0xec: {  	s13 =	sshra.s32 s13, $0x2;
	[tilespmem:s10+$0x30] =	vst v0;
	s10 =	smov.u32 s8  }
0xed: {  	v0 =	vld [tilespmem:s13+$0x4600]  }
0xee: {  	v1 =	vld [tilespmem:s13+$0x4E00];
	_ =	sdelay $0x3  }
0xef: {  	v2 =	vshll.u32 v0, $0x10;
	v0 =	vand.u32 $0xFFFF0000, v0  }
0xf0: {  	v3 =	vshll.u32 v1, $0x10;
	v1 =	vand.u32 $0xFFFF0000, v1  }
0xf1: {  	v2 =	vmul.f32 v3, v2;
	v0 =	vmul.f32 v1, v0;
	_ =	sdelay $0x1  }
0xf2: {  	[tilespmem:s8+$0xFFFFFFC0] =	vst v2  }
0xf3: {  	[tilespmem:s8+$0xFFFFFFD0] =	vst v0  }
0xf4: {  	v0 =	vld [tilespmem:s13+$0x4610]  }
0xf5: {  	v1 =	vld [tilespmem:s13+$0x4E10];
	_ =	sdelay $0x3  }
0xf6: {  	v2 =	vshll.u32 v0, $0x10;
	v0 =	vand.u32 $0xFFFF0000, v0  }
0xf7: {  	v3 =	vshll.u32 v1, $0x10;
	v1 =	vand.u32 $0xFFFF0000, v1  }
0xf8: {  	v2 =	vmul.f32 v3, v2;
	v0 =	vmul.f32 v1, v0;
	_ =	sdelay $0x1  }
0xf9: {  	[tilespmem:s8+$0xFFFFFFE0] =	vst v2  }
0xfa: {  	[tilespmem:s8+$0xFFFFFFF0] =	vst v0  }
0xfb: {  	v0 =	vld [tilespmem:s13+$0x4620]  }
0xfc: {  	v1 =	vld [tilespmem:s13+$0x4E20];
	_ =	sdelay $0x3  }
0xfd: {  	v2 =	vshll.u32 v0, $0x10;
	v0 =	vand.u32 $0xFFFF0000, v0  }
0xfe: {  	v3 =	vshll.u32 v1, $0x10;
	v1 =	vand.u32 $0xFFFF0000, v1  }
0xff: {  	v2 =	vmul.f32 v3, v2;
	v0 =	vmul.f32 v1, v0  }
.Ltmp4:
0x100: {  	(pc) =	sbr.rel @p1 .LBB2_11-.Ltmp4, $4  }
0x101: {  	[tilespmem:s8+$0x0] =	vst v2  }
0x102: {  	[tilespmem:s8+$0x10] =	vst v0  }
0x103: {  	v0 =	vld [tilespmem:s13+$0x4630]  }
0x104: {  	v1 =	vld [tilespmem:s13+$0x4E30]  }
0x105: {  	_ =	sdelay $0x3  }
0x106: {  	v2 =	vshll.u32 v0, $0x10;
	v3 =	vshll.u32 v1, $0x10  }
0x107: {  	v0 =	vand.u32 $0xFFFF0000, v0;
	v1 =	vand.u32 $0xFFFF0000, v1;
	v2 =	vmul.f32 v3, v2  }
0x108: {  	v0 =	vmul.f32 v1, v0  }
0x109: {  	[tilespmem:s10+$0x20] =	vst v2  }
0x10a: {  	s6 =	sadd.s32 $0x1440, s6;
	[tilespmem:s10+$0x30] =	vst v0  }
0x10b: {  	[spmem:s3] =	stream.indirect.scatter.add.f32 [tilespmem:s30], [sflag:$0x8], $0x80, s6, s23, $0xb8;
	[tilespmem:$0x1FA00] =	vst v63  }
0x10c: {  	s6 =	smul.u32 @!p0 $0x500, s20  }
0x10d: {  	_ =	swait.ge [sflag:s31], $0x1000  }
0x10e: {  	s9 =	simm.s32 @!p0 $0x40;
	[sflag:s31] =	ssyncset.done $0x0;
	s6 =	sshra.s32 @!p0 s6, $0x2  }
0x10f: {  	s10 =	simm.s32 @!p0 $0x2E00;
	[sflag:s31] =	ssyncadd.s32 $0xFFFFF000;
	s8 =	sadd.s32 @!p0 $0x180, s6  }
0x110: {  	[tilespmem:s10], [sflag:$0x2] =	stream.indirect.gather @!p0 [hbm4b:s2+s9], $0x40, s8, s9, $0xb8;
	[tilespmem:$0x1FA00] =	vst v63  }
0x111: {  	_ =	swait.ge [sflag:s0], $0x1000  }
0x112: {  	[sflag:s0] =	ssyncset.done $0x0  }
0x113: {  	s20 =	simm.s32 $0xFFFFF800;
	[sflag:s0] =	ssyncadd.s32 $0xFFFFF000  }
0x114: {  	v0 =	vld [tilespmem:s20+$0x5600]  }
0x115: {  	v1 =	vld [tilespmem:s20+$0x5E00];
	_ =	sdelay $0x4  }
0x116: {  	v2 =	vshll.u32 v0, $0x10;
	v3 =	vshll.u32 v1, $0x10  }
0x117: {  	v0 =	vand.u32 $0xFFFF0000, v0;
	v1 =	vand.u32 $0xFFFF0000, v1;
	v2 =	vmul.f32 v3, v2  }
0x118: {  	s8 =	simm.s32 $0x9E40;
	v0 =	vmul.f32 v1, v0  }
0x119: {  	[tilespmem:s8+$0xFFFFFFC0] =	vst v2  }
0x11a: {  	[tilespmem:s8+$0xFFFFFFD0] =	vst v0  }
0x11b: {  	v0 =	vld [tilespmem:s20+$0x5610]  }
0x11c: {  	v1 =	vld [tilespmem:s20+$0x5E10];
	_ =	sdelay $0x4  }
0x11d: {  	v2 =	vshll.u32 v0, $0x10;
	v3 =	vshll.u32 v1, $0x10  }
0x11e: {  	v0 =	vand.u32 $0xFFFF0000, v0;
	v1 =	vand.u32 $0xFFFF0000, v1;
	v2 =	vmul.f32 v3, v2  }
0x11f: {  	v0 =	vmul.f32 v1, v0  }
0x120: {  	[tilespmem:s8+$0xFFFFFFE0] =	vst v2  }
0x121: {  	[tilespmem:s8+$0xFFFFFFF0] =	vst v0  }
0x122: {  	v0 =	vld [tilespmem:s20+$0x5620]  }
0x123: {  	v1 =	vld [tilespmem:s20+$0x5E20];
	_ =	sdelay $0x4  }
0x124: {  	v2 =	vshll.u32 v0, $0x10;
	v3 =	vshll.u32 v1, $0x10  }
0x125: {  	v0 =	vand.u32 $0xFFFF0000, v0;
	v1 =	vand.u32 $0xFFFF0000, v1;
	v2 =	vmul.f32 v3, v2  }
0x126: {  	v0 =	vmul.f32 v1, v0  }
0x127: {  	[tilespmem:s8+$0x0] =	vst v2  }
0x128: {  	[tilespmem:s8+$0x10] =	vst v0  }
0x129: {  	v0 =	vld [tilespmem:s20+$0x5630]  }
0x12a: {  	s9 =	simm.s32 $0xFFFFE100;
	v1 =	vld [tilespmem:s20+$0x5E30];
	s20 =	simm.s32 $0x9E40  }
.LBB2_13:
0x12b: {  	p1 =	sne.s32 s9, $0xFFFFFF00  }
0x12c: {  	s8 =	sadd.s32 $0x80, s8;
	s10 =	smov.u32 s9;
	s9 =	sadd.s32 $0x100, s9  }
0x12d: {  	_ =	sdelay $0x1  }
0x12e: {  	v2 =	vshll.u32 v0, $0x10;
	v0 =	vand.u32 $0xFFFF0000, v0  }
0x12f: {  	v3 =	vshll.u32 v1, $0x10;
	v1 =	vand.u32 $0xFFFF0000, v1  }
0x130: {  	v2 =	vmul.f32 v3, v2;
	v0 =	vmul.f32 v1, v0;
	_ =	sdelay $0x1  }
0x131: {  	[tilespmem:s20+$0x20] =	vst v2  }
0x132: {  	s10 =	sshra.s32 s10, $0x2;
	[tilespmem:s20+$0x30] =	vst v0;
	s20 =	smov.u32 s8  }
0x133: {  	v0 =	vld [tilespmem:s10+$0x5600]  }
0x134: {  	v1 =	vld [tilespmem:s10+$0x5E00];
	_ =	sdelay $0x3  }
0x135: {  	v2 =	vshll.u32 v0, $0x10;
	v0 =	vand.u32 $0xFFFF0000, v0  }
0x136: {  	v3 =	vshll.u32 v1, $0x10;
	v1 =	vand.u32 $0xFFFF0000, v1  }
0x137: {  	v2 =	vmul.f32 v3, v2;
	v0 =	vmul.f32 v1, v0;
	_ =	sdelay $0x1  }
0x138: {  	[tilespmem:s8+$0xFFFFFFC0] =	vst v2  }
0x139: {  	[tilespmem:s8+$0xFFFFFFD0] =	vst v0  }
0x13a: {  	v0 =	vld [tilespmem:s10+$0x5610]  }
0x13b: {  	v1 =	vld [tilespmem:s10+$0x5E10];
	_ =	sdelay $0x3  }
0x13c: {  	v2 =	vshll.u32 v0, $0x10;
	v0 =	vand.u32 $0xFFFF0000, v0  }
0x13d: {  	v3 =	vshll.u32 v1, $0x10;
	v1 =	vand.u32 $0xFFFF0000, v1  }
0x13e: {  	v2 =	vmul.f32 v3, v2;
	v0 =	vmul.f32 v1, v0;
	_ =	sdelay $0x1  }
0x13f: {  	[tilespmem:s8+$0xFFFFFFE0] =	vst v2  }
0x140: {  	[tilespmem:s8+$0xFFFFFFF0] =	vst v0  }
0x141: {  	v0 =	vld [tilespmem:s10+$0x5620]  }
0x142: {  	v1 =	vld [tilespmem:s10+$0x5E20];
	_ =	sdelay $0x3  }
0x143: {  	v2 =	vshll.u32 v0, $0x10;
	v0 =	vand.u32 $0xFFFF0000, v0  }
0x144: {  	v3 =	vshll.u32 v1, $0x10;
	v1 =	vand.u32 $0xFFFF0000, v1  }
0x145: {  	v2 =	vmul.f32 v3, v2;
	v0 =	vmul.f32 v1, v0  }
.Ltmp5:
0x146: {  	(pc) =	sbr.rel @p1 .LBB2_13-.Ltmp5, $4  }
0x147: {  	[tilespmem:s8+$0x0] =	vst v2  }
0x148: {  	[tilespmem:s8+$0x10] =	vst v0  }
0x149: {  	v0 =	vld [tilespmem:s10+$0x5630]  }
0x14a: {  	v1 =	vld [tilespmem:s10+$0x5E30]  }
0x14b: {  	_ =	sdelay $0x3  }
0x14c: {  	v2 =	vshll.u32 v0, $0x10;
	v3 =	vshll.u32 v1, $0x10  }
0x14d: {  	v0 =	vand.u32 $0xFFFF0000, v0;
	v1 =	vand.u32 $0xFFFF0000, v1;
	v2 =	vmul.f32 v3, v2  }
0x14e: {  	s8 =	sshll.u32 s18, $0x5;
	v0 =	vmul.f32 v1, v0  }
0x14f: {  	s8 =	sand.u32 $0x3FFFFFE0, s8;
	[tilespmem:s20+$0x20] =	vst v2  }
0x150: {  	s8 =	sadd.s32 $0x1400, s8;
	[tilespmem:s20+$0x30] =	vst v0  }
0x151: {  	[spmem:s3] =	stream.indirect.scatter.add.f32 [tilespmem:s1], [sflag:$0x9], $0x80, s8, s23, $0xb8;
	[tilespmem:$0x1FA00] =	vst v63  }
0x152: {  	_ =	swait.ge [sflag:s7], $0x1000  }
0x153: {  	s6 =	sadd.s32 @!p0 $0x1C0, s6;
	[sflag:s7] =	ssyncset.done $0x0  }
0x154: {  	s9 =	simm.s32 @!p0 $0x3E00;
	s8 =	simm.s32 @!p0 $0x40;
	[sflag:s7] =	ssyncadd.s32 $0xFFFFF000  }
0x155: {  	[tilespmem:s9], [sflag:$0x3] =	stream.indirect.gather @!p0 [hbm4b:s2+s8], $0x40, s6, s8, $0xb8;
	[tilespmem:$0x1FA00] =	vst v63  }
0x156: {  	_ =	swait.ge [sflag:s11], $0x1000  }
0x157: {  	[sflag:s11] =	ssyncset.done $0x0  }
0x158: {  	s20 =	simm.s32 $0xFFFFF800;
	[sflag:s11] =	ssyncadd.s32 $0xFFFFF000  }
0x159: {  	v0 =	vld [tilespmem:s20+$0x6600]  }
0x15a: {  	v1 =	vld [tilespmem:s20+$0x6E00];
	_ =	sdelay $0x4  }
0x15b: {  	v2 =	vshll.u32 v0, $0x10;
	v3 =	vshll.u32 v1, $0x10  }
0x15c: {  	v0 =	vand.u32 $0xFFFF0000, v0;
	v1 =	vand.u32 $0xFFFF0000, v1;
	v2 =	vmul.f32 v3, v2  }
0x15d: {  	s6 =	simm.s32 $0xAE40;
	v0 =	vmul.f32 v1, v0  }
0x15e: {  	[tilespmem:s6+$0xFFFFFFC0] =	vst v2  }
0x15f: {  	[tilespmem:s6+$0xFFFFFFD0] =	vst v0  }
0x160: {  	v0 =	vld [tilespmem:s20+$0x6610]  }
0x161: {  	v1 =	vld [tilespmem:s20+$0x6E10];
	_ =	sdelay $0x4  }
0x162: {  	v2 =	vshll.u32 v0, $0x10;
	v3 =	vshll.u32 v1, $0x10  }
0x163: {  	v0 =	vand.u32 $0xFFFF0000, v0;
	v1 =	vand.u32 $0xFFFF0000, v1;
	v2 =	vmul.f32 v3, v2  }
0x164: {  	v0 =	vmul.f32 v1, v0  }
0x165: {  	[tilespmem:s6+$0xFFFFFFE0] =	vst v2  }
0x166: {  	[tilespmem:s6+$0xFFFFFFF0] =	vst v0  }
0x167: {  	v0 =	vld [tilespmem:s20+$0x6620]  }
0x168: {  	v1 =	vld [tilespmem:s20+$0x6E20];
	_ =	sdelay $0x4  }
0x169: {  	v2 =	vshll.u32 v0, $0x10;
	v3 =	vshll.u32 v1, $0x10  }
0x16a: {  	v0 =	vand.u32 $0xFFFF0000, v0;
	v1 =	vand.u32 $0xFFFF0000, v1;
	v2 =	vmul.f32 v3, v2  }
0x16b: {  	v0 =	vmul.f32 v1, v0  }
0x16c: {  	[tilespmem:s6+$0x0] =	vst v2  }
0x16d: {  	[tilespmem:s6+$0x10] =	vst v0  }
0x16e: {  	v0 =	vld [tilespmem:s20+$0x6630]  }
0x16f: {  	s9 =	simm.s32 $0xFFFFE100;
	s8 =	simm.s32 $0xAE40;
	v1 =	vld [tilespmem:s20+$0x6E30]  }
.LBB2_15:
0x170: {  	p0 =	sne.s32 s9, $0xFFFFFF00  }
0x171: {  	s6 =	sadd.s32 $0x80, s6;
	s10 =	smov.u32 s9;
	s9 =	sadd.s32 $0x100, s9  }
0x172: {  	_ =	sdelay $0x1  }
0x173: {  	v2 =	vshll.u32 v0, $0x10;
	v0 =	vand.u32 $0xFFFF0000, v0  }
0x174: {  	v3 =	vshll.u32 v1, $0x10;
	v1 =	vand.u32 $0xFFFF0000, v1  }
0x175: {  	v2 =	vmul.f32 v3, v2;
	v0 =	vmul.f32 v1, v0;
	_ =	sdelay $0x1  }
0x176: {  	[tilespmem:s8+$0x20] =	vst v2  }
0x177: {  	s10 =	sshra.s32 s10, $0x2;
	[tilespmem:s8+$0x30] =	vst v0;
	s8 =	smov.u32 s6  }
0x178: {  	v0 =	vld [tilespmem:s10+$0x6600]  }
0x179: {  	v1 =	vld [tilespmem:s10+$0x6E00];
	_ =	sdelay $0x3  }
0x17a: {  	v2 =	vshll.u32 v0, $0x10;
	v0 =	vand.u32 $0xFFFF0000, v0  }
0x17b: {  	v3 =	vshll.u32 v1, $0x10;
	v1 =	vand.u32 $0xFFFF0000, v1  }
0x17c: {  	v2 =	vmul.f32 v3, v2;
	v0 =	vmul.f32 v1, v0;
	_ =	sdelay $0x1  }
0x17d: {  	[tilespmem:s6+$0xFFFFFFC0] =	vst v2  }
0x17e: {  	[tilespmem:s6+$0xFFFFFFD0] =	vst v0  }
0x17f: {  	v0 =	vld [tilespmem:s10+$0x6610]  }
0x180: {  	v1 =	vld [tilespmem:s10+$0x6E10];
	_ =	sdelay $0x3  }
0x181: {  	v2 =	vshll.u32 v0, $0x10;
	v0 =	vand.u32 $0xFFFF0000, v0  }
0x182: {  	v3 =	vshll.u32 v1, $0x10;
	v1 =	vand.u32 $0xFFFF0000, v1  }
0x183: {  	v2 =	vmul.f32 v3, v2;
	v0 =	vmul.f32 v1, v0;
	_ =	sdelay $0x1  }
0x184: {  	[tilespmem:s6+$0xFFFFFFE0] =	vst v2  }
0x185: {  	[tilespmem:s6+$0xFFFFFFF0] =	vst v0  }
0x186: {  	v0 =	vld [tilespmem:s10+$0x6620]  }
0x187: {  	v1 =	vld [tilespmem:s10+$0x6E20];
	_ =	sdelay $0x3  }
0x188: {  	v2 =	vshll.u32 v0, $0x10;
	v0 =	vand.u32 $0xFFFF0000, v0  }
0x189: {  	v3 =	vshll.u32 v1, $0x10;
	v1 =	vand.u32 $0xFFFF0000, v1  }
0x18a: {  	v2 =	vmul.f32 v3, v2;
	v0 =	vmul.f32 v1, v0  }
.Ltmp6:
0x18b: {  	(pc) =	sbr.rel @p0 .LBB2_15-.Ltmp6, $4  }
0x18c: {  	[tilespmem:s6+$0x0] =	vst v2  }
0x18d: {  	[tilespmem:s6+$0x10] =	vst v0  }
0x18e: {  	v0 =	vld [tilespmem:s10+$0x6630]  }
0x18f: {  	v1 =	vld [tilespmem:s10+$0x6E30]  }
0x190: {  	_ =	sdelay $0x3  }
0x191: {  	p0 =	slt.u32 s5, $0x10;
	v2 =	vshll.u32 v0, $0x10;
	v3 =	vshll.u32 v1, $0x10  }
.Ltmp7:
0x192: {  	v62 =	vand.u32 $0xFFFF0000, v0;
	v63 =	vand.u32 $0xFFFF0000, v1;
	v2 =	vmul.f32 v3, v2;
	(pc) =	sbr.rel @p0 .LBB2_3-.Ltmp7, $4  }
0x193: {  	s6 =	sshll.u32 s19, $0x5;
	v0 =	vmul.f32 v63, v62  }
0x194: {  	s6 =	sand.u32 $0x3FFFFFE0, s6;
	[tilespmem:s8+$0x20] =	vst v2  }
0x195: {  	s20 =	smov.u32 s5;
	s6 =	sadd.s32 $0x1400, s6;
	[tilespmem:s8+$0x30] =	vst v0  }
0x196: {  	[spmem:s3] =	stream.indirect.scatter.add.f32 [tilespmem:s12], [sflag:$0xA], $0x80, s6, s23, $0xb8;
	[tilespmem:$0x1FA00] =	vst v63  }
0x197: {  	s5 =	simm.s32 $0x8  }
0x198: {  	_ =	swait.ge [sflag:s5], $0x1000  }
0x199: {  	[sflag:s5] =	ssyncset.done $0x0  }
0x19a: {  	s20 =	simm.s32 $0x9;
	s15 =	sadd.s32 $0x1, s15;
	[sflag:s5] =	ssyncadd.s32 $0xFFFFF000  }
0x19b: {  	p0 =	sne.s32 s15, $0x4;
	_ =	swait.ge [sflag:s20], $0x1000  }
.Ltmp8:
0x19c: {  	[sflag:s20] =	ssyncset.done $0x0;
	(pc) =	sbr.rel @p0 .LBB2_2-.Ltmp8, $4  }
0x19d: {  	[sflag:s20] =	ssyncadd.s32 $0xFFFFF000  }
0x19e: {  	_ =	swait.ge [sflag:s4], $0x1000  }
0x19f: {  	[sflag:s4] =	ssyncset.done $0x0  }
0x1a0: {  	[sflag:s4] =	ssyncadd.s32 $0xFFFFF000  }
0x1a1: {  	[bflag:$0x0] =	sbarrier.arrive $0xFFFF  }
0x1a2: {  	s6 =	rddreg [dreg:$0x9]  }
0x1a3: {  	s5 =	rddreg [dreg:$0xb]  }
0x1a4: {  	s8 =	rddreg [dreg:$0xd]  }
0x1a5: {  	[hbm:s5], [sflag:s6] =	dma.local [spmem:s8], $0x2780  }
0x1a6: {  	_ =	swait.ge [sflag:s14], $0x2780  }
0x1a7: {  	s9 =	rddreg [dreg:$0x4]  }
0x1a8: {  	s20 =	rddreg [dreg:$0xc];
	s9 =	sadd.s32 $0x1, s9  }
0x1a9: {  	p0 =	sne.s32 s9, s20  }
.Ltmp9:
0x1aa: {  	_ = 	snop;
	(pc) =	sbr.rel @p0 .LBB2_1-.Ltmp9, $3  }
0x1ab: {  	_ =	sdelay $0x1  }
0x1ac: {  	[sflag:s14] =	ssyncset.done $0x0  }
0x1ad: {  	[sflag:s14] =	ssyncadd.s32 $0xFFFFD880  }
0x1ae: {  	_ =	sfence.sel $0x180000  }
0x1af: {  	[bflag:$0x0] =	sbarrier.arrive $0xFFFF  }
0x1b0: {  	_ =	strace $0x90000047  }
0x1b1: {  	s0 =	stileid.u32;
	[bflag:$0x2] =	sbarrier.arrive $0xFFFF  }
0x1b2: {  	p0 =	sne.s32 s0, $0x0;
	s0 =	rddreg [dreg:$0x3]  }
0x1b3: {  	s0 =	sadd.s32 @!p0 $0x100000, s0  }
0x1b4: {  	[sflag:s0] =	ssyncadd.tile.s32 @!p0 $0x1;
	_ =	shalt  }
.Lfunc_end2:
_tile_overlayer_lowered:
.L_overlay_start_2:
0x1b5: {  	(tag) =	ssettag $0x2  }
0x1b6: {  	s0 =	rddreg [dreg:$0x0];
	s2 =	stileid.u32  }
0x1b7: {  	s1 =	rddreg [dreg:$0x1];
	p0 =	sne.s32 s2, $0x0  }
0x1b8: {  	s3 =	rddreg [dreg:$0x2];
	[bflag:$0x3] =	sbarrier.arrive $0xFFFF;
	s2 =	simm.s32 @!p0 $0x1C0B  }
0x1b9: {  	[timem:s3], [sflag:s2] =	dma.local @!p0 [hbm:s0], s1  }
0x1ba: {  	s0 =	simm.s32 @!p0 $0xB  }
0x1bb: {  	_ =	swait.ge @!p0 [sflag:s0], s1  }
0x1bc: {  	s1 =	ssub.s32 @!p0 $0x0, s1;
	[sflag:s0] =	ssyncset.done @!p0 $0x0  }
0x1bd: {  	[sflag:s0] =	ssyncadd.s32 @!p0 s1  }
0x1be: {  	[bflag:$0x3] =	sbarrier.arrive $0xFFFF  }
0x1bf: {  	_ =	shalt  }

</sc_bundles>
